<compile_context>
chip_gen: v7x
topology: tpu7x:2x2x1
jax: 0.10.2.dev20260603
libtpu: 0.0.44.dev20260713+nightly
codegen_flags: <defaults>
</compile_context>

<pallas_src>
import functools

import jax
import jax.numpy as jnp
from jax import lax
from jax.experimental import pallas as pl
from jax.experimental.pallas import tpu as pltpu
from jax.experimental.pallas import tpu_sc as plsc

N_NODES = 10000
N_EDGES = 320000
D_IN = 128
D_HID = 32

NC = 2
NS = 16
NW = NC * NS
CHUNK = 80
NCHUNK = 125
N_PAD = 10240
RPS = N_PAD // NS
NBUF = 5


def _sc_segment_sum(table, src1d, dst1d, zeros, d):
    mesh = plsc.VectorSubcoreMesh(core_axis_name="c", subcore_axis_name="s")

    @functools.partial(
        pl.kernel,
        mesh=mesh,
        compiler_params=pltpu.CompilerParams(use_tc_tiling_on_sc=False),
        out_type=jax.ShapeDtypeStruct((NC, N_PAD, 128), jnp.float32),
        scratch_types=[
            pltpu.VMEM((NCHUNK * CHUNK,), jnp.int32),
            pltpu.VMEM((NCHUNK * CHUNK,), jnp.int32),
            [pltpu.VMEM((CHUNK, d), jnp.float32) for _ in range(NBUF)],
            pltpu.VMEM_SHARED((N_PAD, d), jnp.float32),
            pltpu.SemaphoreType.DMA,
            [pltpu.SemaphoreType.DMA for _ in range(NBUF)],
            [pltpu.SemaphoreType.DMA for _ in range(NBUF)],
        ],
    )
    def k(tab_hbm, src_hbm, dst_hbm, z_hbm, out_hbm,
          srcb, dstb, rows, acc, s_misc, sg, ss):
        cid = lax.axis_index("c")
        sid = lax.axis_index("s")
        wid = sid * NC + cid
        base = wid * NCHUNK * CHUNK

        pltpu.async_copy(src_hbm.at[pl.ds(base, NCHUNK * CHUNK)], srcb, s_misc)
        pltpu.async_copy(dst_hbm.at[pl.ds(base, NCHUNK * CHUNK)], dstb, s_misc)
        pltpu.async_copy(z_hbm.at[pl.ds(sid * RPS, RPS)],
                         acc.at[pl.ds(sid * RPS, RPS)], s_misc)
        pltpu.make_async_copy(src_hbm.at[pl.ds(base, NCHUNK * CHUNK)], srcb,
                              s_misc).wait()
        pltpu.make_async_copy(dst_hbm.at[pl.ds(base, NCHUNK * CHUNK)], dstb,
                              s_misc).wait()

        for kk in range(NBUF - 1):
            pltpu.async_copy(tab_hbm.at[srcb.at[pl.ds(kk * CHUNK, CHUNK)]], rows[kk], sg[kk])
        pltpu.make_async_copy(z_hbm.at[pl.ds(sid * RPS, RPS)],
                              acc.at[pl.ds(sid * RPS, RPS)], s_misc).wait()
        plsc.subcore_barrier()

        def step(s, kk):
            pltpu.make_async_copy(tab_hbm.at[srcb.at[pl.ds(s * CHUNK, CHUNK)]], rows[kk],
                                  sg[kk]).wait()
            pltpu.async_copy(rows[kk], acc.at[dstb.at[pl.ds(s * CHUNK, CHUNK)]], ss[kk], add=True)
            kn = (kk + NBUF - 1) % NBUF
            sn = s + NBUF - 1

            @pl.when(sn < NCHUNK)
            def _():
                @pl.when(s >= 1)
                def _():
                    pltpu.make_async_copy(rows[kn], acc.at[dstb.at[pl.ds((s - 1) * CHUNK, CHUNK)]],
                                          ss[kn]).wait()
                pltpu.async_copy(tab_hbm.at[srcb.at[pl.ds(sn * CHUNK, CHUNK)]], rows[kn], sg[kn])

        @pl.loop(0, NCHUNK // NBUF)
        def _(j):
            s0 = j * NBUF
            for kk in range(NBUF):
                step(s0 + kk, kk)

        for kk in range(NBUF):
            s_last = NCHUNK - NBUF + kk
            pltpu.make_async_copy(rows[kk], acc.at[dstb.at[pl.ds(s_last * CHUNK, CHUNK)]],
                                  ss[kk]).wait()

        plsc.subcore_barrier()
        pltpu.sync_copy(acc.at[pl.ds(sid * RPS, RPS)],
                        out_hbm.at[cid].at[pl.ds(sid * RPS, RPS), pl.ds(0, d)])

    return k(table, src1d, dst1d, zeros)


_ROWS = N_NODES


def _esplit_body(e_ref, s_ref, d_ref):
    s_ref[...] = e_ref[0]
    d_ref[...] = e_ref[1]


def _tc_edge_split(e):
    return pl.pallas_call(
        _esplit_body,
        in_specs=[pl.BlockSpec((2, N_EDGES), lambda: (0, 0))],
        out_specs=[pl.BlockSpec((N_EDGES,), lambda: (0,)),
                   pl.BlockSpec((N_EDGES,), lambda: (0,))],
        out_shape=[jax.ShapeDtypeStruct((N_EDGES,), jnp.int32),
                   jax.ShapeDtypeStruct((N_EDGES,), jnp.int32)],
    )(e)
DP1 = 40


def _mm_body(a_ref, w_ref, c_ref, o_ref):
    o_ref[...] = jnp.dot(a_ref[...], w_ref[...],
                         preferred_element_type=jnp.float32) + c_ref[...]


def _tc_matmul(a, w, crow):
    grid = N_NODES // _ROWS
    dk, dn = w.shape
    return pl.pallas_call(
        _mm_body,
        grid=(grid,),
        in_specs=[
            pl.BlockSpec((_ROWS, dk), lambda i: (i, 0)),
            pl.BlockSpec((dk, dn), lambda i: (0, 0)),
            pl.BlockSpec((1, dn), lambda i: (0, 0)),
        ],
        out_specs=pl.BlockSpec((_ROWS, dn), lambda i: (i, 0)),
        out_shape=jax.ShapeDtypeStruct((N_NODES, dn), jnp.float32),
    )(a, w, crow)


def _k2_body(agg_ref, xr_ref, b1_ref, h_ref):
    a = agg_ref[0] + agg_ref[1]
    dinv = 1.0 / jnp.clip(a[:, 32:33], 1.0, None)
    h_ref[...] = jax.nn.relu(a[:, :D_HID] * dinv + b1_ref[...] + xr_ref[...])


def _tc_hidden(agg1, xr, b1_row):
    grid = N_NODES // _ROWS
    return pl.pallas_call(
        _k2_body,
        grid=(grid,),
        in_specs=[
            pl.BlockSpec((NC, _ROWS, 128), lambda i: (0, i, 0)),
            pl.BlockSpec((_ROWS, D_HID), lambda i: (i, 0)),
            pl.BlockSpec((1, D_HID), lambda i: (0, 0)),
        ],
        out_specs=pl.BlockSpec((_ROWS, D_HID), lambda i: (i, 0)),
        out_shape=jax.ShapeDtypeStruct((N_NODES, D_HID), jnp.float32),
    )(agg1, xr, b1_row)


def _k3_body(aggh_ref, agg1_ref, hr_ref, w2l_ref, out_ref):
    deg = jnp.clip(agg1_ref[0][:, 32:33] + agg1_ref[1][:, 32:33], 1.0, None)
    m = (aggh_ref[0][:, :D_HID] + aggh_ref[1][:, :D_HID]) / deg
    out_ref[...] = jnp.dot(m, w2l_ref[...],
                           preferred_element_type=jnp.float32) + hr_ref[...]


def _tc_out(aggh, agg1, hr, w2l):
    grid = N_NODES // _ROWS
    return pl.pallas_call(
        _k3_body,
        grid=(grid,),
        in_specs=[
            pl.BlockSpec((NC, _ROWS, 128), lambda i: (0, i, 0)),
            pl.BlockSpec((NC, _ROWS, 128), lambda i: (0, i, 0)),
            pl.BlockSpec((_ROWS, 128), lambda i: (i, 0)),
            pl.BlockSpec((D_HID, 128), lambda i: (0, 0)),
        ],
        out_specs=pl.BlockSpec((_ROWS, 128), lambda i: (i, 0)),
        out_shape=jax.ShapeDtypeStruct((N_NODES, 128), jnp.float32),
    )(aggh, agg1, hr, w2l)


def kernel(x, edge_index, W1_l, b1, W1_r, W2_l, b2, W2_r):
    src, dst = _tc_edge_split(edge_index.astype(jnp.int32))

    wl_pad = jnp.pad(W1_l, ((0, 0), (0, DP1 - D_HID)))
    ones_row = jnp.zeros((1, DP1), jnp.float32).at[0, 32].set(1.0)
    zrow = jnp.zeros((1, D_HID), jnp.float32)
    zeros_p1 = jnp.zeros((N_PAD, DP1), jnp.float32)
    zeros_p2 = jnp.zeros((N_PAD, D_HID), jnp.float32)

    xp_aug = _tc_matmul(x, wl_pad, ones_row)
    agg1 = _sc_segment_sum(xp_aug, src, dst, zeros_p1, DP1)
    xr = _tc_matmul(x, W1_r, zrow)
    h = _tc_hidden(agg1, xr, b1.reshape(1, D_HID))
    aggh = _sc_segment_sum(h, src, dst, zeros_p2, D_HID)
    hr = _tc_matmul(h, W2_r, b2.reshape(1, 128))
    out = _tc_out(aggh, agg1, hr, W2_l)
    return out

# --- scband reference (transcript-rebuilt; emitter-appended) ---
"""Pipeline reference for scband-context-sage-25967372272294 (READ-ONLY COPY).

The authoritative reference and input builder live on the scoring server;
editing this copy changes nothing except your own understanding.
"""

import jax, jax.numpy as jnp
import numpy as np

N_NODES = 10000
N_EDGES = 320000
D_IN = 128
D_HID = 32
D_OUT = 128


def setup_inputs(seed: int = 0) -> dict:
    key = jax.random.key(seed)
    ks = jax.random.split(key, 10)
    x = jax.random.normal(ks[0], (N_NODES, D_IN), dtype=jnp.float32)
    edge_index = jax.random.randint(ks[1], (2, N_EDGES), 0, N_NODES, dtype=jnp.int64)
    s1 = 1.0 / np.sqrt(D_IN)
    s2 = 1.0 / np.sqrt(D_HID)
    W1_l = jax.random.uniform(ks[2], (D_IN, D_HID), dtype=jnp.float32, minval=-s1, maxval=s1)
    b1 = jax.random.uniform(ks[3], (D_HID,), dtype=jnp.float32, minval=-s1, maxval=s1)
    W1_r = jax.random.uniform(ks[4], (D_IN, D_HID), dtype=jnp.float32, minval=-s1, maxval=s1)
    W2_l = jax.random.uniform(ks[5], (D_HID, D_OUT), dtype=jnp.float32, minval=-s2, maxval=s2)
    b2 = jax.random.uniform(ks[6], (D_OUT,), dtype=jnp.float32, minval=-s2, maxval=s2)
    W2_r = jax.random.uniform(ks[7], (D_HID, D_OUT), dtype=jnp.float32, minval=-s2, maxval=s2)
    return {"x": x, "edge_index": edge_index, "W1_l": W1_l, "b1": b1, "W1_r": W1_r,
            "W2_l": W2_l, "b2": b2, "W2_r": W2_r}


def _sage_conv(x, edge_index, W_l, b_l, W_r):
    # PyG SAGEConv (mean aggregation): out = lin_l(mean_j x_j) + lin_r(x)
    src = edge_index[0]
    dst = edge_index[1]
    msgs = jnp.take(x, src, axis=0)                                   # gather x_j
    agg = jax.ops.segment_sum(msgs, dst, num_segments=N_NODES)        # scatter-add at dst
    deg = jax.ops.segment_sum(jnp.ones((msgs.shape[0],), dtype=x.dtype), dst, num_segments=N_NODES)
    mean = agg / jnp.clip(deg, 1.0, None)[:, None]
    return mean @ W_l + b_l + x @ W_r


def reference(x, edge_index, W1_l, b1, W1_r, W2_l, b2, W2_r):
    h = _sage_conv(x, edge_index, W1_l, b1, W1_r)
    h = jax.nn.relu(h)
    # dropout p=0.2 is identity in eval mode
    out = _sage_conv(h, edge_index, W2_l, b2, W2_r)
    return out

if __name__ == "__main__":
    import jax
    _d = setup_inputs()
    print(jax.jit(kernel)(*tuple(_d.values())))

</pallas_src>

<mosaic_0001>
#map = affine_map<(d0, d1) -> (0, 0)>
#map1 = affine_map<(d0, d1) -> (0)>
#map2 = affine_map<(d0, d1) -> (0, 0, 0)>
module attributes {stable_mosaic.version = 14 : i64} {
  func.func @k(%arg0: i32, %arg1: i32, %arg2: memref<10000x40xf32, #tpu.memory_space<hbm>>, %arg3: memref<320000xi32, #tpu.memory_space<hbm>>, %arg4: memref<320000xi32, #tpu.memory_space<hbm>>, %arg5: memref<10240x40xf32, #tpu.memory_space<hbm>>, %arg6: memref<2x10240x128xf32, #tpu.memory_space<hbm>>, %arg7: memref<10000xi32, #tpu.memory_space<vmem>>, %arg8: memref<10000xi32, #tpu.memory_space<vmem>>, %arg9: memref<80x40xf32, #tpu.memory_space<vmem>>, %arg10: memref<80x40xf32, #tpu.memory_space<vmem>>, %arg11: memref<80x40xf32, #tpu.memory_space<vmem>>, %arg12: memref<80x40xf32, #tpu.memory_space<vmem>>, %arg13: memref<80x40xf32, #tpu.memory_space<vmem>>, %arg14: memref<10240x40xf32, #tpu.memory_space<vmem_shared>>, %arg15: memref<!tpu.dma_semaphore, #tpu.memory_space<semaphore_mem>>, %arg16: memref<!tpu.dma_semaphore, #tpu.memory_space<semaphore_mem>>, %arg17: memref<!tpu.dma_semaphore, #tpu.memory_space<semaphore_mem>>, %arg18: memref<!tpu.dma_semaphore, #tpu.memory_space<semaphore_mem>>, %arg19: memref<!tpu.dma_semaphore, #tpu.memory_space<semaphore_mem>>, %arg20: memref<!tpu.dma_semaphore, #tpu.memory_space<semaphore_mem>>, %arg21: memref<!tpu.dma_semaphore, #tpu.memory_space<semaphore_mem>>, %arg22: memref<!tpu.dma_semaphore, #tpu.memory_space<semaphore_mem>>, %arg23: memref<!tpu.dma_semaphore, #tpu.memory_space<semaphore_mem>>, %arg24: memref<!tpu.dma_semaphore, #tpu.memory_space<semaphore_mem>>, %arg25: memref<!tpu.dma_semaphore, #tpu.memory_space<semaphore_mem>>) attributes {dimension_semantics = [#tpu.dimension_semantics<core_parallel>, #tpu.dimension_semantics<subcore_parallel>], iteration_bounds = array<i64: 2, 16>, scalar_prefetch = 0 : i64, scratch_operands = 19 : i64, tpu.core_type = #tpu.core_type<sc_vector_subcore>, window_params = [{transform_indices = #map}, {transform_indices = #map1}, {transform_indices = #map1}, {transform_indices = #map}, {transform_indices = #map2}]} {
    %mul3A = arith.constant 2 : i32
    %mul3A_0 = arith.muli %arg1, %mul3A : i32
    %add3A = arith.addi %mul3A_0, %arg0 : i32
    %mul3A_1 = arith.constant 125 : i32
    %mul3A_2 = arith.muli %add3A, %mul3A_1 : i32
    %mul3A_3 = arith.constant 80 : i32
    %mul3A_4 = arith.muli %mul3A_2, %mul3A_3 : i32
    %dma_start3A = tpu.memref_slice %arg3[%mul3A_4] : memref<320000xi32, #tpu.memory_space<hbm>> -> memref<10000xi32, #tpu.memory_space<hbm>>
    %dma_start3A_5 = tpu.memref_slice %arg3[%mul3A_4] : memref<320000xi32, #tpu.memory_space<hbm>> -> memref<10000xi32, #tpu.memory_space<hbm>>
    tpu.enqueue_dma source(%dma_start3A_5 : memref<10000xi32, #tpu.memory_space<hbm>>) target(%arg7 : memref<10000xi32, #tpu.memory_space<vmem>>) target_semaphore(%arg15 : memref<!tpu.dma_semaphore, #tpu.memory_space<semaphore_mem>>)
    %dma_start3A_6 = tpu.memref_slice %arg4[%mul3A_4] : memref<320000xi32, #tpu.memory_space<hbm>> -> memref<10000xi32, #tpu.memory_space<hbm>>
    %dma_start3A_7 = tpu.memref_slice %arg4[%mul3A_4] : memref<320000xi32, #tpu.memory_space<hbm>> -> memref<10000xi32, #tpu.memory_space<hbm>>
    tpu.enqueue_dma source(%dma_start3A_7 : memref<10000xi32, #tpu.memory_space<hbm>>) target(%arg8 : memref<10000xi32, #tpu.memory_space<vmem>>) target_semaphore(%arg15 : memref<!tpu.dma_semaphore, #tpu.memory_space<semaphore_mem>>)
    %mul3A_8 = arith.constant 640 : i32
    %mul3A_9 = arith.muli %arg1, %mul3A_8 : i32
    %mul3A_10 = arith.constant 640 : i32
    %mul3A_11 = arith.muli %arg1, %mul3A_10 : i32
    %dma_start3A_12 = arith.constant 0 : i32
    %dma_start3A_13 = tpu.memref_slice %arg14[%mul3A_11, %dma_start3A_12] : memref<10240x40xf32, #tpu.memory_space<vmem_shared>> -> memref<640x40xf32, #tpu.memory_space<vmem_shared>>
    %dma_start3A_14 = arith.constant 0 : i32
    %dma_start3A_15 = tpu.memref_slice %arg5[%mul3A_9, %dma_start3A_14] : memref<10240x40xf32, #tpu.memory_space<hbm>> -> memref<640x40xf32, #tpu.memory_space<hbm>>
    tpu.enqueue_dma source(%dma_start3A_15 : memref<640x40xf32, #tpu.memory_space<hbm>>) target(%dma_start3A_13 : memref<640x40xf32, #tpu.memory_space<vmem_shared>>) target_semaphore(%arg15 : memref<!tpu.dma_semaphore, #tpu.memory_space<semaphore_mem>>)
    %dma_wait3A = tpu.memref_slice %arg3[%mul3A_4] : memref<320000xi32, #tpu.memory_space<hbm>> -> memref<10000xi32, #tpu.memory_space<hbm>>
    %dma_wait3A_16 = tpu.memref_slice %arg3[%mul3A_4] : memref<320000xi32, #tpu.memory_space<hbm>> -> memref<10000xi32, #tpu.memory_space<hbm>>
    tpu.wait_dma2 semaphore(%arg15 : memref<!tpu.dma_semaphore, #tpu.memory_space<semaphore_mem>>) src(%dma_wait3A_16 : memref<10000xi32, #tpu.memory_space<hbm>>) dst(%arg7 : memref<10000xi32, #tpu.memory_space<vmem>>)
    %dma_wait3A_17 = tpu.memref_slice %arg4[%mul3A_4] : memref<320000xi32, #tpu.memory_space<hbm>> -> memref<10000xi32, #tpu.memory_space<hbm>>
    %dma_wait3A_18 = tpu.memref_slice %arg4[%mul3A_4] : memref<320000xi32, #tpu.memory_space<hbm>> -> memref<10000xi32, #tpu.memory_space<hbm>>
    tpu.wait_dma2 semaphore(%arg15 : memref<!tpu.dma_semaphore, #tpu.memory_space<semaphore_mem>>) src(%dma_wait3A_18 : memref<10000xi32, #tpu.memory_space<hbm>>) dst(%arg8 : memref<10000xi32, #tpu.memory_space<vmem>>)
    %dma_start3A_19 = arith.constant 0 : i32
    %dma_start3A_20 = tpu.memref_slice %arg7[%dma_start3A_19] : memref<10000xi32, #tpu.memory_space<vmem>> -> memref<80xi32, #tpu.memory_space<vmem>>
    %dma_start3A_21 = arith.constant 0 : i32
    %dma_start3A_22 = arith.constant 0 : i32
    %dma_start3A_23 = tpu.memref_slice %arg2[%dma_start3A_21, %dma_start3A_22] : memref<10000x40xf32, #tpu.memory_space<hbm>> -> memref<10000x40xf32, #tpu.memory_space<hbm>>
    tpu.enqueue_indirect_dma source(%dma_start3A_23 : memref<10000x40xf32, #tpu.memory_space<hbm>>) target(%arg9 : memref<80x40xf32, #tpu.memory_space<vmem>>) offsets(%dma_start3A_20 : memref<80xi32, #tpu.memory_space<vmem>>) semaphore(%arg16 : memref<!tpu.dma_semaphore, #tpu.memory_space<semaphore_mem>>)
    %dma_start3A_24 = arith.constant 80 : i32
    %dma_start3A_25 = tpu.memref_slice %arg7[%dma_start3A_24] : memref<10000xi32, #tpu.memory_space<vmem>> -> memref<80xi32, #tpu.memory_space<vmem>>
    %dma_start3A_26 = arith.constant 0 : i32
    %dma_start3A_27 = arith.constant 0 : i32
    %dma_start3A_28 = tpu.memref_slice %arg2[%dma_start3A_26, %dma_start3A_27] : memref<10000x40xf32, #tpu.memory_space<hbm>> -> memref<10000x40xf32, #tpu.memory_space<hbm>>
    tpu.enqueue_indirect_dma source(%dma_start3A_28 : memref<10000x40xf32, #tpu.memory_space<hbm>>) target(%arg10 : memref<80x40xf32, #tpu.memory_space<vmem>>) offsets(%dma_start3A_25 : memref<80xi32, #tpu.memory_space<vmem>>) semaphore(%arg17 : memref<!tpu.dma_semaphore, #tpu.memory_space<semaphore_mem>>)
    %dma_start3A_29 = arith.constant 160 : i32
    %dma_start3A_30 = tpu.memref_slice %arg7[%dma_start3A_29] : memref<10000xi32, #tpu.memory_space<vmem>> -> memref<80xi32, #tpu.memory_space<vmem>>
    %dma_start3A_31 = arith.constant 0 : i32
    %dma_start3A_32 = arith.constant 0 : i32
    %dma_start3A_33 = tpu.memref_slice %arg2[%dma_start3A_31, %dma_start3A_32] : memref<10000x40xf32, #tpu.memory_space<hbm>> -> memref<10000x40xf32, #tpu.memory_space<hbm>>
    tpu.enqueue_indirect_dma source(%dma_start3A_33 : memref<10000x40xf32, #tpu.memory_space<hbm>>) target(%arg11 : memref<80x40xf32, #tpu.memory_space<vmem>>) offsets(%dma_start3A_30 : memref<80xi32, #tpu.memory_space<vmem>>) semaphore(%arg18 : memref<!tpu.dma_semaphore, #tpu.memory_space<semaphore_mem>>)
    %dma_start3A_34 = arith.constant 240 : i32
    %dma_start3A_35 = tpu.memref_slice %arg7[%dma_start3A_34] : memref<10000xi32, #tpu.memory_space<vmem>> -> memref<80xi32, #tpu.memory_space<vmem>>
    %dma_start3A_36 = arith.constant 0 : i32
    %dma_start3A_37 = arith.constant 0 : i32
    %dma_start3A_38 = tpu.memref_slice %arg2[%dma_start3A_36, %dma_start3A_37] : memref<10000x40xf32, #tpu.memory_space<hbm>> -> memref<10000x40xf32, #tpu.memory_space<hbm>>
    tpu.enqueue_indirect_dma source(%dma_start3A_38 : memref<10000x40xf32, #tpu.memory_space<hbm>>) target(%arg12 : memref<80x40xf32, #tpu.memory_space<vmem>>) offsets(%dma_start3A_35 : memref<80xi32, #tpu.memory_space<vmem>>) semaphore(%arg19 : memref<!tpu.dma_semaphore, #tpu.memory_space<semaphore_mem>>)
    %mul3A_39 = arith.constant 640 : i32
    %mul3A_40 = arith.muli %arg1, %mul3A_39 : i32
    %mul3A_41 = arith.constant 640 : i32
    %mul3A_42 = arith.muli %arg1, %mul3A_41 : i32
    %dma_wait3A_43 = arith.constant 0 : i32
    %dma_wait3A_44 = tpu.memref_slice %arg14[%mul3A_42, %dma_wait3A_43] : memref<10240x40xf32, #tpu.memory_space<vmem_shared>> -> memref<640x40xf32, #tpu.memory_space<vmem_shared>>
    %dma_wait3A_45 = arith.constant 0 : i32
    %dma_wait3A_46 = tpu.memref_slice %arg5[%mul3A_40, %dma_wait3A_45] : memref<10240x40xf32, #tpu.memory_space<hbm>> -> memref<640x40xf32, #tpu.memory_space<hbm>>
    tpu.wait_dma2 semaphore(%arg15 : memref<!tpu.dma_semaphore, #tpu.memory_space<semaphore_mem>>) src(%dma_wait3A_46 : memref<640x40xf32, #tpu.memory_space<hbm>>) dst(%dma_wait3A_44 : memref<640x40xf32, #tpu.memory_space<vmem_shared>>)
    %barrier3A = arith.constant 0 : index
    tpu.barrier barrier_id(%barrier3A)
    %scan3A = arith.constant 0 : i32
    %scan3A_47 = arith.constant 25 : i32
    %scan3A_48 = arith.addi %scan3A, %scan3A_47 : i32
    %scan3A_49 = arith.constant 1 : i32
    scf.for %scan3A_81 = %scan3A to %scan3A_48 step %scan3A_49  : i32 {
      %mul3A_82 = arith.constant 1 : i32
      %mul3A_83 = arith.muli %scan3A_81, %mul3A_82 : i32
      %add3A_84 = arith.constant 0 : i32
      %add3A_85 = arith.addi %add3A_84, %mul3A_83 : i32
      %mul3A_86 = arith.constant 5 : i32
      %mul3A_87 = arith.muli %add3A_85, %mul3A_86 : i32
      %add3A_88 = arith.constant 0 : i32
      %add3A_89 = arith.addi %mul3A_87, %add3A_88 : i32
      %mul3A_90 = arith.constant 80 : i32
      %mul3A_91 = arith.muli %add3A_89, %mul3A_90 : i32
      %dma_wait3A_92 = tpu.memref_slice %arg7[%mul3A_91] : memref<10000xi32, #tpu.memory_space<vmem>> -> memref<80xi32, #tpu.memory_space<vmem>>
      %dma_wait3A_93 = arith.constant 0 : i32
      %dma_wait3A_94 = arith.constant 0 : i32
      %dma_wait3A_95 = tpu.memref_slice %arg2[%dma_wait3A_93, %dma_wait3A_94] : memref<10000x40xf32, #tpu.memory_space<hbm>> -> memref<10000x40xf32, #tpu.memory_space<hbm>>
      tpu.wait_indirect_dma semaphore(%arg16 : memref<!tpu.dma_semaphore, #tpu.memory_space<semaphore_mem>>) src(%dma_wait3A_95 : memref<10000x40xf32, #tpu.memory_space<hbm>>) dst(%arg9 : memref<80x40xf32, #tpu.memory_space<vmem>>)
      %mul3A_96 = arith.constant 80 : i32
      %mul3A_97 = arith.muli %add3A_89, %mul3A_96 : i32
      %dma_start3A_98 = tpu.memref_slice %arg8[%mul3A_97] : memref<10000xi32, #tpu.memory_space<vmem>> -> memref<80xi32, #tpu.memory_space<vmem>>
      %dma_start3A_99 = arith.constant 0 : i32
      %dma_start3A_100 = arith.constant 0 : i32
      %dma_start3A_101 = tpu.memref_slice %arg14[%dma_start3A_99, %dma_start3A_100] : memref<10240x40xf32, #tpu.memory_space<vmem_shared>> -> memref<10240x40xf32, #tpu.memory_space<vmem_shared>>
      tpu.enqueue_indirect_dma source(%arg9 : memref<80x40xf32, #tpu.memory_space<vmem>>) target(%dma_start3A_101 : memref<10240x40xf32, #tpu.memory_space<vmem_shared>>) offsets(%dma_start3A_98 : memref<80xi32, #tpu.memory_space<vmem>>) semaphore(%arg21 : memref<!tpu.dma_semaphore, #tpu.memory_space<semaphore_mem>>) {add = true}
      %add3A_102 = arith.constant 5 : i32
      %add3A_103 = arith.addi %add3A_89, %add3A_102 : i32
      %sub3A = arith.constant 1 : i32
      %sub3A_104 = arith.subi %add3A_103, %sub3A : i32
      %lt3A = arith.constant 125 : i32
      %lt3A_105 = arith.cmpi slt, %sub3A_104, %lt3A : i32
      %convert_element_type3A = arith.extui %lt3A_105 : i1 to i32
      %cond3A = arith.constant 0 : i32
      %cond3A_106 = arith.cmpi ne, %convert_element_type3A, %cond3A : i32
      scf.if %cond3A_106 {
        %ge3A = arith.constant 1 : i32
        %ge3A_199 = arith.cmpi sge, %add3A_89, %ge3A : i32
        %convert_element_type3A_200 = arith.extui %ge3A_199 : i1 to i32
        %cond3A_201 = arith.constant 0 : i32
        %cond3A_202 = arith.cmpi ne, %convert_element_type3A_200, %cond3A_201 : i32
        scf.if %cond3A_202 {
          %sub3A_209 = arith.constant 1 : i32
          %sub3A_210 = arith.subi %add3A_89, %sub3A_209 : i32
          %mul3A_211 = arith.constant 80 : i32
          %mul3A_212 = arith.muli %sub3A_210, %mul3A_211 : i32
          %dma_wait3A_213 = tpu.memref_slice %arg8[%mul3A_212] : memref<10000xi32, #tpu.memory_space<vmem>> -> memref<80xi32, #tpu.memory_space<vmem>>
          %dma_wait3A_214 = arith.constant 0 : i32
          %dma_wait3A_215 = arith.constant 0 : i32
          %dma_wait3A_216 = tpu.memref_slice %arg14[%dma_wait3A_214, %dma_wait3A_215] : memref<10240x40xf32, #tpu.memory_space<vmem_shared>> -> memref<10240x40xf32, #tpu.memory_space<vmem_shared>>
          tpu.wait_indirect_dma semaphore(%arg25 : memref<!tpu.dma_semaphore, #tpu.memory_space<semaphore_mem>>) src(%arg13 : memref<80x40xf32, #tpu.memory_space<vmem>>) dst(%dma_wait3A_216 : memref<10240x40xf32, #tpu.memory_space<vmem_shared>>)
        } else {
        }
        %mul3A_203 = arith.constant 80 : i32
        %mul3A_204 = arith.muli %sub3A_104, %mul3A_203 : i32
        %dma_start3A_205 = tpu.memref_slice %arg7[%mul3A_204] : memref<10000xi32, #tpu.memory_space<vmem>> -> memref<80xi32, #tpu.memory_space<vmem>>
        %dma_start3A_206 = arith.constant 0 : i32
        %dma_start3A_207 = arith.constant 0 : i32
        %dma_start3A_208 = tpu.memref_slice %arg2[%dma_start3A_206, %dma_start3A_207] : memref<10000x40xf32, #tpu.memory_space<hbm>> -> memref<10000x40xf32, #tpu.memory_space<hbm>>
        tpu.enqueue_indirect_dma source(%dma_start3A_208 : memref<10000x40xf32, #tpu.memory_space<hbm>>) target(%arg13 : memref<80x40xf32, #tpu.memory_space<vmem>>) offsets(%dma_start3A_205 : memref<80xi32, #tpu.memory_space<vmem>>) semaphore(%arg20 : memref<!tpu.dma_semaphore, #tpu.memory_space<semaphore_mem>>)
      } else {
      }
      %add3A_107 = arith.constant 1 : i32
      %add3A_108 = arith.addi %mul3A_87, %add3A_107 : i32
      %mul3A_109 = arith.constant 80 : i32
      %mul3A_110 = arith.muli %add3A_108, %mul3A_109 : i32
      %dma_wait3A_111 = tpu.memref_slice %arg7[%mul3A_110] : memref<10000xi32, #tpu.memory_space<vmem>> -> memref<80xi32, #tpu.memory_space<vmem>>
      %dma_wait3A_112 = arith.constant 0 : i32
      %dma_wait3A_113 = arith.constant 0 : i32
      %dma_wait3A_114 = tpu.memref_slice %arg2[%dma_wait3A_112, %dma_wait3A_113] : memref<10000x40xf32, #tpu.memory_space<hbm>> -> memref<10000x40xf32, #tpu.memory_space<hbm>>
      tpu.wait_indirect_dma semaphore(%arg17 : memref<!tpu.dma_semaphore, #tpu.memory_space<semaphore_mem>>) src(%dma_wait3A_114 : memref<10000x40xf32, #tpu.memory_space<hbm>>) dst(%arg10 : memref<80x40xf32, #tpu.memory_space<vmem>>)
      %mul3A_115 = arith.constant 80 : i32
      %mul3A_116 = arith.muli %add3A_108, %mul3A_115 : i32
      %dma_start3A_117 = tpu.memref_slice %arg8[%mul3A_116] : memref<10000xi32, #tpu.memory_space<vmem>> -> memref<80xi32, #tpu.memory_space<vmem>>
      %dma_start3A_118 = arith.constant 0 : i32
      %dma_start3A_119 = arith.constant 0 : i32
      %dma_start3A_120 = tpu.memref_slice %arg14[%dma_start3A_118, %dma_start3A_119] : memref<10240x40xf32, #tpu.memory_space<vmem_shared>> -> memref<10240x40xf32, #tpu.memory_space<vmem_shared>>
      tpu.enqueue_indirect_dma source(%arg10 : memref<80x40xf32, #tpu.memory_space<vmem>>) target(%dma_start3A_120 : memref<10240x40xf32, #tpu.memory_space<vmem_shared>>) offsets(%dma_start3A_117 : memref<80xi32, #tpu.memory_space<vmem>>) semaphore(%arg22 : memref<!tpu.dma_semaphore, #tpu.memory_space<semaphore_mem>>) {add = true}
      %add3A_121 = arith.constant 5 : i32
      %add3A_122 = arith.addi %add3A_108, %add3A_121 : i32
      %sub3A_123 = arith.constant 1 : i32
      %sub3A_124 = arith.subi %add3A_122, %sub3A_123 : i32
      %lt3A_125 = arith.constant 125 : i32
      %lt3A_126 = arith.cmpi slt, %sub3A_124, %lt3A_125 : i32
      %convert_element_type3A_127 = arith.extui %lt3A_126 : i1 to i32
      %cond3A_128 = arith.constant 0 : i32
      %cond3A_129 = arith.cmpi ne, %convert_element_type3A_127, %cond3A_128 : i32
      scf.if %cond3A_129 {
        %ge3A = arith.constant 1 : i32
        %ge3A_199 = arith.cmpi sge, %add3A_108, %ge3A : i32
        %convert_element_type3A_200 = arith.extui %ge3A_199 : i1 to i32
        %cond3A_201 = arith.constant 0 : i32
        %cond3A_202 = arith.cmpi ne, %convert_element_type3A_200, %cond3A_201 : i32
        scf.if %cond3A_202 {
          %sub3A_209 = arith.constant 1 : i32
          %sub3A_210 = arith.subi %add3A_108, %sub3A_209 : i32
          %mul3A_211 = arith.constant 80 : i32
          %mul3A_212 = arith.muli %sub3A_210, %mul3A_211 : i32
          %dma_wait3A_213 = tpu.memref_slice %arg8[%mul3A_212] : memref<10000xi32, #tpu.memory_space<vmem>> -> memref<80xi32, #tpu.memory_space<vmem>>
          %dma_wait3A_214 = arith.constant 0 : i32
          %dma_wait3A_215 = arith.constant 0 : i32
          %dma_wait3A_216 = tpu.memref_slice %arg14[%dma_wait3A_214, %dma_wait3A_215] : memref<10240x40xf32, #tpu.memory_space<vmem_shared>> -> memref<10240x40xf32, #tpu.memory_space<vmem_shared>>
          tpu.wait_indirect_dma semaphore(%arg21 : memref<!tpu.dma_semaphore, #tpu.memory_space<semaphore_mem>>) src(%arg9 : memref<80x40xf32, #tpu.memory_space<vmem>>) dst(%dma_wait3A_216 : memref<10240x40xf32, #tpu.memory_space<vmem_shared>>)
        } else {
        }
        %mul3A_203 = arith.constant 80 : i32
        %mul3A_204 = arith.muli %sub3A_124, %mul3A_203 : i32
        %dma_start3A_205 = tpu.memref_slice %arg7[%mul3A_204] : memref<10000xi32, #tpu.memory_space<vmem>> -> memref<80xi32, #tpu.memory_space<vmem>>
        %dma_start3A_206 = arith.constant 0 : i32
        %dma_start3A_207 = arith.constant 0 : i32
        %dma_start3A_208 = tpu.memref_slice %arg2[%dma_start3A_206, %dma_start3A_207] : memref<10000x40xf32, #tpu.memory_space<hbm>> -> memref<10000x40xf32, #tpu.memory_space<hbm>>
        tpu.enqueue_indirect_dma source(%dma_start3A_208 : memref<10000x40xf32, #tpu.memory_space<hbm>>) target(%arg9 : memref<80x40xf32, #tpu.memory_space<vmem>>) offsets(%dma_start3A_205 : memref<80xi32, #tpu.memory_space<vmem>>) semaphore(%arg16 : memref<!tpu.dma_semaphore, #tpu.memory_space<semaphore_mem>>)
      } else {
      }
      %add3A_130 = arith.constant 2 : i32
      %add3A_131 = arith.addi %mul3A_87, %add3A_130 : i32
      %mul3A_132 = arith.constant 80 : i32
      %mul3A_133 = arith.muli %add3A_131, %mul3A_132 : i32
      %dma_wait3A_134 = tpu.memref_slice %arg7[%mul3A_133] : memref<10000xi32, #tpu.memory_space<vmem>> -> memref<80xi32, #tpu.memory_space<vmem>>
      %dma_wait3A_135 = arith.constant 0 : i32
      %dma_wait3A_136 = arith.constant 0 : i32
      %dma_wait3A_137 = tpu.memref_slice %arg2[%dma_wait3A_135, %dma_wait3A_136] : memref<10000x40xf32, #tpu.memory_space<hbm>> -> memref<10000x40xf32, #tpu.memory_space<hbm>>
      tpu.wait_indirect_dma semaphore(%arg18 : memref<!tpu.dma_semaphore, #tpu.memory_space<semaphore_mem>>) src(%dma_wait3A_137 : memref<10000x40xf32, #tpu.memory_space<hbm>>) dst(%arg11 : memref<80x40xf32, #tpu.memory_space<vmem>>)
      %mul3A_138 = arith.constant 80 : i32
      %mul3A_139 = arith.muli %add3A_131, %mul3A_138 : i32
      %dma_start3A_140 = tpu.memref_slice %arg8[%mul3A_139] : memref<10000xi32, #tpu.memory_space<vmem>> -> memref<80xi32, #tpu.memory_space<vmem>>
      %dma_start3A_141 = arith.constant 0 : i32
      %dma_start3A_142 = arith.constant 0 : i32
      %dma_start3A_143 = tpu.memref_slice %arg14[%dma_start3A_141, %dma_start3A_142] : memref<10240x40xf32, #tpu.memory_space<vmem_shared>> -> memref<10240x40xf32, #tpu.memory_space<vmem_shared>>
      tpu.enqueue_indirect_dma source(%arg11 : memref<80x40xf32, #tpu.memory_space<vmem>>) target(%dma_start3A_143 : memref<10240x40xf32, #tpu.memory_space<vmem_shared>>) offsets(%dma_start3A_140 : memref<80xi32, #tpu.memory_space<vmem>>) semaphore(%arg23 : memref<!tpu.dma_semaphore, #tpu.memory_space<semaphore_mem>>) {add = true}
      %add3A_144 = arith.constant 5 : i32
      %add3A_145 = arith.addi %add3A_131, %add3A_144 : i32
      %sub3A_146 = arith.constant 1 : i32
      %sub3A_147 = arith.subi %add3A_145, %sub3A_146 : i32
      %lt3A_148 = arith.constant 125 : i32
      %lt3A_149 = arith.cmpi slt, %sub3A_147, %lt3A_148 : i32
      %convert_element_type3A_150 = arith.extui %lt3A_149 : i1 to i32
      %cond3A_151 = arith.constant 0 : i32
      %cond3A_152 = arith.cmpi ne, %convert_element_type3A_150, %cond3A_151 : i32
      scf.if %cond3A_152 {
        %ge3A = arith.constant 1 : i32
        %ge3A_199 = arith.cmpi sge, %add3A_131, %ge3A : i32
        %convert_element_type3A_200 = arith.extui %ge3A_199 : i1 to i32
        %cond3A_201 = arith.constant 0 : i32
        %cond3A_202 = arith.cmpi ne, %convert_element_type3A_200, %cond3A_201 : i32
        scf.if %cond3A_202 {
          %sub3A_209 = arith.constant 1 : i32
          %sub3A_210 = arith.subi %add3A_131, %sub3A_209 : i32
          %mul3A_211 = arith.constant 80 : i32
          %mul3A_212 = arith.muli %sub3A_210, %mul3A_211 : i32
          %dma_wait3A_213 = tpu.memref_slice %arg8[%mul3A_212] : memref<10000xi32, #tpu.memory_space<vmem>> -> memref<80xi32, #tpu.memory_space<vmem>>
          %dma_wait3A_214 = arith.constant 0 : i32
          %dma_wait3A_215 = arith.constant 0 : i32
          %dma_wait3A_216 = tpu.memref_slice %arg14[%dma_wait3A_214, %dma_wait3A_215] : memref<10240x40xf32, #tpu.memory_space<vmem_shared>> -> memref<10240x40xf32, #tpu.memory_space<vmem_shared>>
          tpu.wait_indirect_dma semaphore(%arg22 : memref<!tpu.dma_semaphore, #tpu.memory_space<semaphore_mem>>) src(%arg10 : memref<80x40xf32, #tpu.memory_space<vmem>>) dst(%dma_wait3A_216 : memref<10240x40xf32, #tpu.memory_space<vmem_shared>>)
        } else {
        }
        %mul3A_203 = arith.constant 80 : i32
        %mul3A_204 = arith.muli %sub3A_147, %mul3A_203 : i32
        %dma_start3A_205 = tpu.memref_slice %arg7[%mul3A_204] : memref<10000xi32, #tpu.memory_space<vmem>> -> memref<80xi32, #tpu.memory_space<vmem>>
        %dma_start3A_206 = arith.constant 0 : i32
        %dma_start3A_207 = arith.constant 0 : i32
        %dma_start3A_208 = tpu.memref_slice %arg2[%dma_start3A_206, %dma_start3A_207] : memref<10000x40xf32, #tpu.memory_space<hbm>> -> memref<10000x40xf32, #tpu.memory_space<hbm>>
        tpu.enqueue_indirect_dma source(%dma_start3A_208 : memref<10000x40xf32, #tpu.memory_space<hbm>>) target(%arg10 : memref<80x40xf32, #tpu.memory_space<vmem>>) offsets(%dma_start3A_205 : memref<80xi32, #tpu.memory_space<vmem>>) semaphore(%arg17 : memref<!tpu.dma_semaphore, #tpu.memory_space<semaphore_mem>>)
      } else {
      }
      %add3A_153 = arith.constant 3 : i32
      %add3A_154 = arith.addi %mul3A_87, %add3A_153 : i32
      %mul3A_155 = arith.constant 80 : i32
      %mul3A_156 = arith.muli %add3A_154, %mul3A_155 : i32
      %dma_wait3A_157 = tpu.memref_slice %arg7[%mul3A_156] : memref<10000xi32, #tpu.memory_space<vmem>> -> memref<80xi32, #tpu.memory_space<vmem>>
      %dma_wait3A_158 = arith.constant 0 : i32
      %dma_wait3A_159 = arith.constant 0 : i32
      %dma_wait3A_160 = tpu.memref_slice %arg2[%dma_wait3A_158, %dma_wait3A_159] : memref<10000x40xf32, #tpu.memory_space<hbm>> -> memref<10000x40xf32, #tpu.memory_space<hbm>>
      tpu.wait_indirect_dma semaphore(%arg19 : memref<!tpu.dma_semaphore, #tpu.memory_space<semaphore_mem>>) src(%dma_wait3A_160 : memref<10000x40xf32, #tpu.memory_space<hbm>>) dst(%arg12 : memref<80x40xf32, #tpu.memory_space<vmem>>)
      %mul3A_161 = arith.constant 80 : i32
      %mul3A_162 = arith.muli %add3A_154, %mul3A_161 : i32
      %dma_start3A_163 = tpu.memref_slice %arg8[%mul3A_162] : memref<10000xi32, #tpu.memory_space<vmem>> -> memref<80xi32, #tpu.memory_space<vmem>>
      %dma_start3A_164 = arith.constant 0 : i32
      %dma_start3A_165 = arith.constant 0 : i32
      %dma_start3A_166 = tpu.memref_slice %arg14[%dma_start3A_164, %dma_start3A_165] : memref<10240x40xf32, #tpu.memory_space<vmem_shared>> -> memref<10240x40xf32, #tpu.memory_space<vmem_shared>>
      tpu.enqueue_indirect_dma source(%arg12 : memref<80x40xf32, #tpu.memory_space<vmem>>) target(%dma_start3A_166 : memref<10240x40xf32, #tpu.memory_space<vmem_shared>>) offsets(%dma_start3A_163 : memref<80xi32, #tpu.memory_space<vmem>>) semaphore(%arg24 : memref<!tpu.dma_semaphore, #tpu.memory_space<semaphore_mem>>) {add = true}
      %add3A_167 = arith.constant 5 : i32
      %add3A_168 = arith.addi %add3A_154, %add3A_167 : i32
      %sub3A_169 = arith.constant 1 : i32
      %sub3A_170 = arith.subi %add3A_168, %sub3A_169 : i32
      %lt3A_171 = arith.constant 125 : i32
      %lt3A_172 = arith.cmpi slt, %sub3A_170, %lt3A_171 : i32
      %convert_element_type3A_173 = arith.extui %lt3A_172 : i1 to i32
      %cond3A_174 = arith.constant 0 : i32
      %cond3A_175 = arith.cmpi ne, %convert_element_type3A_173, %cond3A_174 : i32
      scf.if %cond3A_175 {
        %ge3A = arith.constant 1 : i32
        %ge3A_199 = arith.cmpi sge, %add3A_154, %ge3A : i32
        %convert_element_type3A_200 = arith.extui %ge3A_199 : i1 to i32
        %cond3A_201 = arith.constant 0 : i32
        %cond3A_202 = arith.cmpi ne, %convert_element_type3A_200, %cond3A_201 : i32
        scf.if %cond3A_202 {
          %sub3A_209 = arith.constant 1 : i32
          %sub3A_210 = arith.subi %add3A_154, %sub3A_209 : i32
          %mul3A_211 = arith.constant 80 : i32
          %mul3A_212 = arith.muli %sub3A_210, %mul3A_211 : i32
          %dma_wait3A_213 = tpu.memref_slice %arg8[%mul3A_212] : memref<10000xi32, #tpu.memory_space<vmem>> -> memref<80xi32, #tpu.memory_space<vmem>>
          %dma_wait3A_214 = arith.constant 0 : i32
          %dma_wait3A_215 = arith.constant 0 : i32
          %dma_wait3A_216 = tpu.memref_slice %arg14[%dma_wait3A_214, %dma_wait3A_215] : memref<10240x40xf32, #tpu.memory_space<vmem_shared>> -> memref<10240x40xf32, #tpu.memory_space<vmem_shared>>
          tpu.wait_indirect_dma semaphore(%arg23 : memref<!tpu.dma_semaphore, #tpu.memory_space<semaphore_mem>>) src(%arg11 : memref<80x40xf32, #tpu.memory_space<vmem>>) dst(%dma_wait3A_216 : memref<10240x40xf32, #tpu.memory_space<vmem_shared>>)
        } else {
        }
        %mul3A_203 = arith.constant 80 : i32
        %mul3A_204 = arith.muli %sub3A_170, %mul3A_203 : i32
        %dma_start3A_205 = tpu.memref_slice %arg7[%mul3A_204] : memref<10000xi32, #tpu.memory_space<vmem>> -> memref<80xi32, #tpu.memory_space<vmem>>
        %dma_start3A_206 = arith.constant 0 : i32
        %dma_start3A_207 = arith.constant 0 : i32
        %dma_start3A_208 = tpu.memref_slice %arg2[%dma_start3A_206, %dma_start3A_207] : memref<10000x40xf32, #tpu.memory_space<hbm>> -> memref<10000x40xf32, #tpu.memory_space<hbm>>
        tpu.enqueue_indirect_dma source(%dma_start3A_208 : memref<10000x40xf32, #tpu.memory_space<hbm>>) target(%arg11 : memref<80x40xf32, #tpu.memory_space<vmem>>) offsets(%dma_start3A_205 : memref<80xi32, #tpu.memory_space<vmem>>) semaphore(%arg18 : memref<!tpu.dma_semaphore, #tpu.memory_space<semaphore_mem>>)
      } else {
      }
      %add3A_176 = arith.constant 4 : i32
      %add3A_177 = arith.addi %mul3A_87, %add3A_176 : i32
      %mul3A_178 = arith.constant 80 : i32
      %mul3A_179 = arith.muli %add3A_177, %mul3A_178 : i32
      %dma_wait3A_180 = tpu.memref_slice %arg7[%mul3A_179] : memref<10000xi32, #tpu.memory_space<vmem>> -> memref<80xi32, #tpu.memory_space<vmem>>
      %dma_wait3A_181 = arith.constant 0 : i32
      %dma_wait3A_182 = arith.constant 0 : i32
      %dma_wait3A_183 = tpu.memref_slice %arg2[%dma_wait3A_181, %dma_wait3A_182] : memref<10000x40xf32, #tpu.memory_space<hbm>> -> memref<10000x40xf32, #tpu.memory_space<hbm>>
      tpu.wait_indirect_dma semaphore(%arg20 : memref<!tpu.dma_semaphore, #tpu.memory_space<semaphore_mem>>) src(%dma_wait3A_183 : memref<10000x40xf32, #tpu.memory_space<hbm>>) dst(%arg13 : memref<80x40xf32, #tpu.memory_space<vmem>>)
      %mul3A_184 = arith.constant 80 : i32
      %mul3A_185 = arith.muli %add3A_177, %mul3A_184 : i32
      %dma_start3A_186 = tpu.memref_slice %arg8[%mul3A_185] : memref<10000xi32, #tpu.memory_space<vmem>> -> memref<80xi32, #tpu.memory_space<vmem>>
      %dma_start3A_187 = arith.constant 0 : i32
      %dma_start3A_188 = arith.constant 0 : i32
      %dma_start3A_189 = tpu.memref_slice %arg14[%dma_start3A_187, %dma_start3A_188] : memref<10240x40xf32, #tpu.memory_space<vmem_shared>> -> memref<10240x40xf32, #tpu.memory_space<vmem_shared>>
      tpu.enqueue_indirect_dma source(%arg13 : memref<80x40xf32, #tpu.memory_space<vmem>>) target(%dma_start3A_189 : memref<10240x40xf32, #tpu.memory_space<vmem_shared>>) offsets(%dma_start3A_186 : memref<80xi32, #tpu.memory_space<vmem>>) semaphore(%arg25 : memref<!tpu.dma_semaphore, #tpu.memory_space<semaphore_mem>>) {add = true}
      %add3A_190 = arith.constant 5 : i32
      %add3A_191 = arith.addi %add3A_177, %add3A_190 : i32
      %sub3A_192 = arith.constant 1 : i32
      %sub3A_193 = arith.subi %add3A_191, %sub3A_192 : i32
      %lt3A_194 = arith.constant 125 : i32
      %lt3A_195 = arith.cmpi slt, %sub3A_193, %lt3A_194 : i32
      %convert_element_type3A_196 = arith.extui %lt3A_195 : i1 to i32
      %cond3A_197 = arith.constant 0 : i32
      %cond3A_198 = arith.cmpi ne, %convert_element_type3A_196, %cond3A_197 : i32
      scf.if %cond3A_198 {
        %ge3A = arith.constant 1 : i32
        %ge3A_199 = arith.cmpi sge, %add3A_177, %ge3A : i32
        %convert_element_type3A_200 = arith.extui %ge3A_199 : i1 to i32
        %cond3A_201 = arith.constant 0 : i32
        %cond3A_202 = arith.cmpi ne, %convert_element_type3A_200, %cond3A_201 : i32
        scf.if %cond3A_202 {
          %sub3A_209 = arith.constant 1 : i32
          %sub3A_210 = arith.subi %add3A_177, %sub3A_209 : i32
          %mul3A_211 = arith.constant 80 : i32
          %mul3A_212 = arith.muli %sub3A_210, %mul3A_211 : i32
          %dma_wait3A_213 = tpu.memref_slice %arg8[%mul3A_212] : memref<10000xi32, #tpu.memory_space<vmem>> -> memref<80xi32, #tpu.memory_space<vmem>>
          %dma_wait3A_214 = arith.constant 0 : i32
          %dma_wait3A_215 = arith.constant 0 : i32
          %dma_wait3A_216 = tpu.memref_slice %arg14[%dma_wait3A_214, %dma_wait3A_215] : memref<10240x40xf32, #tpu.memory_space<vmem_shared>> -> memref<10240x40xf32, #tpu.memory_space<vmem_shared>>
          tpu.wait_indirect_dma semaphore(%arg24 : memref<!tpu.dma_semaphore, #tpu.memory_space<semaphore_mem>>) src(%arg12 : memref<80x40xf32, #tpu.memory_space<vmem>>) dst(%dma_wait3A_216 : memref<10240x40xf32, #tpu.memory_space<vmem_shared>>)
        } else {
        }
        %mul3A_203 = arith.constant 80 : i32
        %mul3A_204 = arith.muli %sub3A_193, %mul3A_203 : i32
        %dma_start3A_205 = tpu.memref_slice %arg7[%mul3A_204] : memref<10000xi32, #tpu.memory_space<vmem>> -> memref<80xi32, #tpu.memory_space<vmem>>
        %dma_start3A_206 = arith.constant 0 : i32
        %dma_start3A_207 = arith.constant 0 : i32
        %dma_start3A_208 = tpu.memref_slice %arg2[%dma_start3A_206, %dma_start3A_207] : memref<10000x40xf32, #tpu.memory_space<hbm>> -> memref<10000x40xf32, #tpu.memory_space<hbm>>
        tpu.enqueue_indirect_dma source(%dma_start3A_208 : memref<10000x40xf32, #tpu.memory_space<hbm>>) target(%arg12 : memref<80x40xf32, #tpu.memory_space<vmem>>) offsets(%dma_start3A_205 : memref<80xi32, #tpu.memory_space<vmem>>) semaphore(%arg19 : memref<!tpu.dma_semaphore, #tpu.memory_space<semaphore_mem>>)
      } else {
      }
    }
    %scan3A_50 = arith.constant 25 : i32
    %dma_wait3A_51 = arith.constant 9600 : i32
    %dma_wait3A_52 = tpu.memref_slice %arg8[%dma_wait3A_51] : memref<10000xi32, #tpu.memory_space<vmem>> -> memref<80xi32, #tpu.memory_space<vmem>>
    %dma_wait3A_53 = arith.constant 0 : i32
    %dma_wait3A_54 = arith.constant 0 : i32
    %dma_wait3A_55 = tpu.memref_slice %arg14[%dma_wait3A_53, %dma_wait3A_54] : memref<10240x40xf32, #tpu.memory_space<vmem_shared>> -> memref<10240x40xf32, #tpu.memory_space<vmem_shared>>
    tpu.wait_indirect_dma semaphore(%arg21 : memref<!tpu.dma_semaphore, #tpu.memory_space<semaphore_mem>>) src(%arg9 : memref<80x40xf32, #tpu.memory_space<vmem>>) dst(%dma_wait3A_55 : memref<10240x40xf32, #tpu.memory_space<vmem_shared>>)
    %dma_wait3A_56 = arith.constant 9680 : i32
    %dma_wait3A_57 = tpu.memref_slice %arg8[%dma_wait3A_56] : memref<10000xi32, #tpu.memory_space<vmem>> -> memref<80xi32, #tpu.memory_space<vmem>>
    %dma_wait3A_58 = arith.constant 0 : i32
    %dma_wait3A_59 = arith.constant 0 : i32
    %dma_wait3A_60 = tpu.memref_slice %arg14[%dma_wait3A_58, %dma_wait3A_59] : memref<10240x40xf32, #tpu.memory_space<vmem_shared>> -> memref<10240x40xf32, #tpu.memory_space<vmem_shared>>
    tpu.wait_indirect_dma semaphore(%arg22 : memref<!tpu.dma_semaphore, #tpu.memory_space<semaphore_mem>>) src(%arg10 : memref<80x40xf32, #tpu.memory_space<vmem>>) dst(%dma_wait3A_60 : memref<10240x40xf32, #tpu.memory_space<vmem_shared>>)
    %dma_wait3A_61 = arith.constant 9760 : i32
    %dma_wait3A_62 = tpu.memref_slice %arg8[%dma_wait3A_61] : memref<10000xi32, #tpu.memory_space<vmem>> -> memref<80xi32, #tpu.memory_space<vmem>>
    %dma_wait3A_63 = arith.constant 0 : i32
    %dma_wait3A_64 = arith.constant 0 : i32
    %dma_wait3A_65 = tpu.memref_slice %arg14[%dma_wait3A_63, %dma_wait3A_64] : memref<10240x40xf32, #tpu.memory_space<vmem_shared>> -> memref<10240x40xf32, #tpu.memory_space<vmem_shared>>
    tpu.wait_indirect_dma semaphore(%arg23 : memref<!tpu.dma_semaphore, #tpu.memory_space<semaphore_mem>>) src(%arg11 : memref<80x40xf32, #tpu.memory_space<vmem>>) dst(%dma_wait3A_65 : memref<10240x40xf32, #tpu.memory_space<vmem_shared>>)
    %dma_wait3A_66 = arith.constant 9840 : i32
    %dma_wait3A_67 = tpu.memref_slice %arg8[%dma_wait3A_66] : memref<10000xi32, #tpu.memory_space<vmem>> -> memref<80xi32, #tpu.memory_space<vmem>>
    %dma_wait3A_68 = arith.constant 0 : i32
    %dma_wait3A_69 = arith.constant 0 : i32
    %dma_wait3A_70 = tpu.memref_slice %arg14[%dma_wait3A_68, %dma_wait3A_69] : memref<10240x40xf32, #tpu.memory_space<vmem_shared>> -> memref<10240x40xf32, #tpu.memory_space<vmem_shared>>
    tpu.wait_indirect_dma semaphore(%arg24 : memref<!tpu.dma_semaphore, #tpu.memory_space<semaphore_mem>>) src(%arg12 : memref<80x40xf32, #tpu.memory_space<vmem>>) dst(%dma_wait3A_70 : memref<10240x40xf32, #tpu.memory_space<vmem_shared>>)
    %dma_wait3A_71 = arith.constant 9920 : i32
    %dma_wait3A_72 = tpu.memref_slice %arg8[%dma_wait3A_71] : memref<10000xi32, #tpu.memory_space<vmem>> -> memref<80xi32, #tpu.memory_space<vmem>>
    %dma_wait3A_73 = arith.constant 0 : i32
    %dma_wait3A_74 = arith.constant 0 : i32
    %dma_wait3A_75 = tpu.memref_slice %arg14[%dma_wait3A_73, %dma_wait3A_74] : memref<10240x40xf32, #tpu.memory_space<vmem_shared>> -> memref<10240x40xf32, #tpu.memory_space<vmem_shared>>
    tpu.wait_indirect_dma semaphore(%arg25 : memref<!tpu.dma_semaphore, #tpu.memory_space<semaphore_mem>>) src(%arg13 : memref<80x40xf32, #tpu.memory_space<vmem>>) dst(%dma_wait3A_75 : memref<10240x40xf32, #tpu.memory_space<vmem_shared>>)
    %barrier3A_76 = arith.constant 0 : index
    tpu.barrier barrier_id(%barrier3A_76)
    %mul3A_77 = arith.constant 640 : i32
    %mul3A_78 = arith.muli %arg1, %mul3A_77 : i32
    %mul3A_79 = arith.constant 640 : i32
    %mul3A_80 = arith.muli %arg1, %mul3A_79 : i32
    "tpu.region"() ({
      %run_scoped3A = tpu.sem_alloc : memref<!tpu.dma_semaphore, #tpu.memory_space<semaphore_mem>>
      %dma_start3A_81 = arith.constant 0 : i32
      %dma_start3A_82 = arith.constant 0 : i32
      %dma_start3A_83 = tpu.memref_slice %arg6[%arg0, %dma_start3A_81, %dma_start3A_82] : memref<2x10240x128xf32, #tpu.memory_space<hbm>> -> memref<1x10240x128xf32, #tpu.memory_space<hbm>>
      %dma_start3A_84 = tpu.memref_squeeze %dma_start3A_83 : memref<1x10240x128xf32, #tpu.memory_space<hbm>> -> memref<10240x128xf32, #tpu.memory_space<hbm>>
      %dma_start3A_85 = arith.constant 0 : i32
      %dma_start3A_86 = tpu.memref_slice %dma_start3A_84[%mul3A_80, %dma_start3A_85] : memref<10240x128xf32, #tpu.memory_space<hbm>> -> memref<640x40xf32, #tpu.memory_space<hbm>>
      %dma_start3A_87 = arith.constant 0 : i32
      %dma_start3A_88 = tpu.memref_slice %arg14[%mul3A_78, %dma_start3A_87] : memref<10240x40xf32, #tpu.memory_space<vmem_shared>> -> memref<640x40xf32, #tpu.memory_space<vmem_shared>>
      tpu.enqueue_dma source(%dma_start3A_88 : memref<640x40xf32, #tpu.memory_space<vmem_shared>>) target(%dma_start3A_86 : memref<640x40xf32, #tpu.memory_space<hbm>>) target_semaphore(%run_scoped3A : memref<!tpu.dma_semaphore, #tpu.memory_space<semaphore_mem>>)
      %dma_wait3A_89 = arith.constant 0 : i32
      %dma_wait3A_90 = arith.constant 0 : i32
      %dma_wait3A_91 = tpu.memref_slice %arg6[%arg0, %dma_wait3A_89, %dma_wait3A_90] : memref<2x10240x128xf32, #tpu.memory_space<hbm>> -> memref<1x10240x128xf32, #tpu.memory_space<hbm>>
      %dma_wait3A_92 = tpu.memref_squeeze %dma_wait3A_91 : memref<1x10240x128xf32, #tpu.memory_space<hbm>> -> memref<10240x128xf32, #tpu.memory_space<hbm>>
      %dma_wait3A_93 = arith.constant 0 : i32
      %dma_wait3A_94 = tpu.memref_slice %dma_wait3A_92[%mul3A_80, %dma_wait3A_93] : memref<10240x128xf32, #tpu.memory_space<hbm>> -> memref<640x40xf32, #tpu.memory_space<hbm>>
      %dma_wait3A_95 = arith.constant 0 : i32
      %dma_wait3A_96 = tpu.memref_slice %arg14[%mul3A_78, %dma_wait3A_95] : memref<10240x40xf32, #tpu.memory_space<vmem_shared>> -> memref<640x40xf32, #tpu.memory_space<vmem_shared>>
      tpu.wait_dma2 semaphore(%run_scoped3A : memref<!tpu.dma_semaphore, #tpu.memory_space<semaphore_mem>>) src(%dma_wait3A_96 : memref<640x40xf32, #tpu.memory_space<vmem_shared>>) dst(%dma_wait3A_94 : memref<640x40xf32, #tpu.memory_space<hbm>>)
      tpu.yield
    }) : () -> ()
    return
  }
}

#map = affine_map<(d0, d1) -> (0, 0)>
#map1 = affine_map<(d0, d1) -> (0)>
#map2 = affine_map<(d0, d1) -> (0, 0, 0)>
module attributes {stable_mosaic.version = 14 : i64} {
  func.func @k(%arg0: i32, %arg1: i32, %arg2: memref<10000x32xf32, #tpu.memory_space<hbm>>, %arg3: memref<320000xi32, #tpu.memory_space<hbm>>, %arg4: memref<320000xi32, #tpu.memory_space<hbm>>, %arg5: memref<10240x32xf32, #tpu.memory_space<hbm>>, %arg6: memref<2x10240x128xf32, #tpu.memory_space<hbm>>, %arg7: memref<10000xi32, #tpu.memory_space<vmem>>, %arg8: memref<10000xi32, #tpu.memory_space<vmem>>, %arg9: memref<80x32xf32, #tpu.memory_space<vmem>>, %arg10: memref<80x32xf32, #tpu.memory_space<vmem>>, %arg11: memref<80x32xf32, #tpu.memory_space<vmem>>, %arg12: memref<80x32xf32, #tpu.memory_space<vmem>>, %arg13: memref<80x32xf32, #tpu.memory_space<vmem>>, %arg14: memref<10240x32xf32, #tpu.memory_space<vmem_shared>>, %arg15: memref<!tpu.dma_semaphore, #tpu.memory_space<semaphore_mem>>, %arg16: memref<!tpu.dma_semaphore, #tpu.memory_space<semaphore_mem>>, %arg17: memref<!tpu.dma_semaphore, #tpu.memory_space<semaphore_mem>>, %arg18: memref<!tpu.dma_semaphore, #tpu.memory_space<semaphore_mem>>, %arg19: memref<!tpu.dma_semaphore, #tpu.memory_space<semaphore_mem>>, %arg20: memref<!tpu.dma_semaphore, #tpu.memory_space<semaphore_mem>>, %arg21: memref<!tpu.dma_semaphore, #tpu.memory_space<semaphore_mem>>, %arg22: memref<!tpu.dma_semaphore, #tpu.memory_space<semaphore_mem>>, %arg23: memref<!tpu.dma_semaphore, #tpu.memory_space<semaphore_mem>>, %arg24: memref<!tpu.dma_semaphore, #tpu.memory_space<semaphore_mem>>, %arg25: memref<!tpu.dma_semaphore, #tpu.memory_space<semaphore_mem>>) attributes {dimension_semantics = [#tpu.dimension_semantics<core_parallel>, #tpu.dimension_semantics<subcore_parallel>], iteration_bounds = array<i64: 2, 16>, scalar_prefetch = 0 : i64, scratch_operands = 19 : i64, tpu.core_type = #tpu.core_type<sc_vector_subcore>, window_params = [{transform_indices = #map}, {transform_indices = #map1}, {transform_indices = #map1}, {transform_indices = #map}, {transform_indices = #map2}]} {
    %mul3A = arith.constant 2 : i32
    %mul3A_0 = arith.muli %arg1, %mul3A : i32
    %add3A = arith.addi %mul3A_0, %arg0 : i32
    %mul3A_1 = arith.constant 125 : i32
    %mul3A_2 = arith.muli %add3A, %mul3A_1 : i32
    %mul3A_3 = arith.constant 80 : i32
    %mul3A_4 = arith.muli %mul3A_2, %mul3A_3 : i32
    %dma_start3A = tpu.memref_slice %arg3[%mul3A_4] : memref<320000xi32, #tpu.memory_space<hbm>> -> memref<10000xi32, #tpu.memory_space<hbm>>
    %dma_start3A_5 = tpu.memref_slice %arg3[%mul3A_4] : memref<320000xi32, #tpu.memory_space<hbm>> -> memref<10000xi32, #tpu.memory_space<hbm>>
    tpu.enqueue_dma source(%dma_start3A_5 : memref<10000xi32, #tpu.memory_space<hbm>>) target(%arg7 : memref<10000xi32, #tpu.memory_space<vmem>>) target_semaphore(%arg15 : memref<!tpu.dma_semaphore, #tpu.memory_space<semaphore_mem>>)
    %dma_start3A_6 = tpu.memref_slice %arg4[%mul3A_4] : memref<320000xi32, #tpu.memory_space<hbm>> -> memref<10000xi32, #tpu.memory_space<hbm>>
    %dma_start3A_7 = tpu.memref_slice %arg4[%mul3A_4] : memref<320000xi32, #tpu.memory_space<hbm>> -> memref<10000xi32, #tpu.memory_space<hbm>>
    tpu.enqueue_dma source(%dma_start3A_7 : memref<10000xi32, #tpu.memory_space<hbm>>) target(%arg8 : memref<10000xi32, #tpu.memory_space<vmem>>) target_semaphore(%arg15 : memref<!tpu.dma_semaphore, #tpu.memory_space<semaphore_mem>>)
    %mul3A_8 = arith.constant 640 : i32
    %mul3A_9 = arith.muli %arg1, %mul3A_8 : i32
    %mul3A_10 = arith.constant 640 : i32
    %mul3A_11 = arith.muli %arg1, %mul3A_10 : i32
    %dma_start3A_12 = arith.constant 0 : i32
    %dma_start3A_13 = tpu.memref_slice %arg14[%mul3A_11, %dma_start3A_12] : memref<10240x32xf32, #tpu.memory_space<vmem_shared>> -> memref<640x32xf32, #tpu.memory_space<vmem_shared>>
    %dma_start3A_14 = arith.constant 0 : i32
    %dma_start3A_15 = tpu.memref_slice %arg5[%mul3A_9, %dma_start3A_14] : memref<10240x32xf32, #tpu.memory_space<hbm>> -> memref<640x32xf32, #tpu.memory_space<hbm>>
    tpu.enqueue_dma source(%dma_start3A_15 : memref<640x32xf32, #tpu.memory_space<hbm>>) target(%dma_start3A_13 : memref<640x32xf32, #tpu.memory_space<vmem_shared>>) target_semaphore(%arg15 : memref<!tpu.dma_semaphore, #tpu.memory_space<semaphore_mem>>)
    %dma_wait3A = tpu.memref_slice %arg3[%mul3A_4] : memref<320000xi32, #tpu.memory_space<hbm>> -> memref<10000xi32, #tpu.memory_space<hbm>>
    %dma_wait3A_16 = tpu.memref_slice %arg3[%mul3A_4] : memref<320000xi32, #tpu.memory_space<hbm>> -> memref<10000xi32, #tpu.memory_space<hbm>>
    tpu.wait_dma2 semaphore(%arg15 : memref<!tpu.dma_semaphore, #tpu.memory_space<semaphore_mem>>) src(%dma_wait3A_16 : memref<10000xi32, #tpu.memory_space<hbm>>) dst(%arg7 : memref<10000xi32, #tpu.memory_space<vmem>>)
    %dma_wait3A_17 = tpu.memref_slice %arg4[%mul3A_4] : memref<320000xi32, #tpu.memory_space<hbm>> -> memref<10000xi32, #tpu.memory_space<hbm>>
    %dma_wait3A_18 = tpu.memref_slice %arg4[%mul3A_4] : memref<320000xi32, #tpu.memory_space<hbm>> -> memref<10000xi32, #tpu.memory_space<hbm>>
    tpu.wait_dma2 semaphore(%arg15 : memref<!tpu.dma_semaphore, #tpu.memory_space<semaphore_mem>>) src(%dma_wait3A_18 : memref<10000xi32, #tpu.memory_space<hbm>>) dst(%arg8 : memref<10000xi32, #tpu.memory_space<vmem>>)
    %dma_start3A_19 = arith.constant 0 : i32
    %dma_start3A_20 = tpu.memref_slice %arg7[%dma_start3A_19] : memref<10000xi32, #tpu.memory_space<vmem>> -> memref<80xi32, #tpu.memory_space<vmem>>
    %dma_start3A_21 = arith.constant 0 : i32
    %dma_start3A_22 = arith.constant 0 : i32
    %dma_start3A_23 = tpu.memref_slice %arg2[%dma_start3A_21, %dma_start3A_22] : memref<10000x32xf32, #tpu.memory_space<hbm>> -> memref<10000x32xf32, #tpu.memory_space<hbm>>
    tpu.enqueue_indirect_dma source(%dma_start3A_23 : memref<10000x32xf32, #tpu.memory_space<hbm>>) target(%arg9 : memref<80x32xf32, #tpu.memory_space<vmem>>) offsets(%dma_start3A_20 : memref<80xi32, #tpu.memory_space<vmem>>) semaphore(%arg16 : memref<!tpu.dma_semaphore, #tpu.memory_space<semaphore_mem>>)
    %dma_start3A_24 = arith.constant 80 : i32
    %dma_start3A_25 = tpu.memref_slice %arg7[%dma_start3A_24] : memref<10000xi32, #tpu.memory_space<vmem>> -> memref<80xi32, #tpu.memory_space<vmem>>
    %dma_start3A_26 = arith.constant 0 : i32
    %dma_start3A_27 = arith.constant 0 : i32
    %dma_start3A_28 = tpu.memref_slice %arg2[%dma_start3A_26, %dma_start3A_27] : memref<10000x32xf32, #tpu.memory_space<hbm>> -> memref<10000x32xf32, #tpu.memory_space<hbm>>
    tpu.enqueue_indirect_dma source(%dma_start3A_28 : memref<10000x32xf32, #tpu.memory_space<hbm>>) target(%arg10 : memref<80x32xf32, #tpu.memory_space<vmem>>) offsets(%dma_start3A_25 : memref<80xi32, #tpu.memory_space<vmem>>) semaphore(%arg17 : memref<!tpu.dma_semaphore, #tpu.memory_space<semaphore_mem>>)
    %dma_start3A_29 = arith.constant 160 : i32
    %dma_start3A_30 = tpu.memref_slice %arg7[%dma_start3A_29] : memref<10000xi32, #tpu.memory_space<vmem>> -> memref<80xi32, #tpu.memory_space<vmem>>
    %dma_start3A_31 = arith.constant 0 : i32
    %dma_start3A_32 = arith.constant 0 : i32
    %dma_start3A_33 = tpu.memref_slice %arg2[%dma_start3A_31, %dma_start3A_32] : memref<10000x32xf32, #tpu.memory_space<hbm>> -> memref<10000x32xf32, #tpu.memory_space<hbm>>
    tpu.enqueue_indirect_dma source(%dma_start3A_33 : memref<10000x32xf32, #tpu.memory_space<hbm>>) target(%arg11 : memref<80x32xf32, #tpu.memory_space<vmem>>) offsets(%dma_start3A_30 : memref<80xi32, #tpu.memory_space<vmem>>) semaphore(%arg18 : memref<!tpu.dma_semaphore, #tpu.memory_space<semaphore_mem>>)
    %dma_start3A_34 = arith.constant 240 : i32
    %dma_start3A_35 = tpu.memref_slice %arg7[%dma_start3A_34] : memref<10000xi32, #tpu.memory_space<vmem>> -> memref<80xi32, #tpu.memory_space<vmem>>
    %dma_start3A_36 = arith.constant 0 : i32
    %dma_start3A_37 = arith.constant 0 : i32
    %dma_start3A_38 = tpu.memref_slice %arg2[%dma_start3A_36, %dma_start3A_37] : memref<10000x32xf32, #tpu.memory_space<hbm>> -> memref<10000x32xf32, #tpu.memory_space<hbm>>
    tpu.enqueue_indirect_dma source(%dma_start3A_38 : memref<10000x32xf32, #tpu.memory_space<hbm>>) target(%arg12 : memref<80x32xf32, #tpu.memory_space<vmem>>) offsets(%dma_start3A_35 : memref<80xi32, #tpu.memory_space<vmem>>) semaphore(%arg19 : memref<!tpu.dma_semaphore, #tpu.memory_space<semaphore_mem>>)
    %mul3A_39 = arith.constant 640 : i32
    %mul3A_40 = arith.muli %arg1, %mul3A_39 : i32
    %mul3A_41 = arith.constant 640 : i32
    %mul3A_42 = arith.muli %arg1, %mul3A_41 : i32
    %dma_wait3A_43 = arith.constant 0 : i32
    %dma_wait3A_44 = tpu.memref_slice %arg14[%mul3A_42, %dma_wait3A_43] : memref<10240x32xf32, #tpu.memory_space<vmem_shared>> -> memref<640x32xf32, #tpu.memory_space<vmem_shared>>
    %dma_wait3A_45 = arith.constant 0 : i32
    %dma_wait3A_46 = tpu.memref_slice %arg5[%mul3A_40, %dma_wait3A_45] : memref<10240x32xf32, #tpu.memory_space<hbm>> -> memref<640x32xf32, #tpu.memory_space<hbm>>
    tpu.wait_dma2 semaphore(%arg15 : memref<!tpu.dma_semaphore, #tpu.memory_space<semaphore_mem>>) src(%dma_wait3A_46 : memref<640x32xf32, #tpu.memory_space<hbm>>) dst(%dma_wait3A_44 : memref<640x32xf32, #tpu.memory_space<vmem_shared>>)
    %barrier3A = arith.constant 0 : index
    tpu.barrier barrier_id(%barrier3A)
    %scan3A = arith.constant 0 : i32
    %scan3A_47 = arith.constant 25 : i32
    %scan3A_48 = arith.addi %scan3A, %scan3A_47 : i32
    %scan3A_49 = arith.constant 1 : i32
    scf.for %scan3A_81 = %scan3A to %scan3A_48 step %scan3A_49  : i32 {
      %mul3A_82 = arith.constant 1 : i32
      %mul3A_83 = arith.muli %scan3A_81, %mul3A_82 : i32
      %add3A_84 = arith.constant 0 : i32
      %add3A_85 = arith.addi %add3A_84, %mul3A_83 : i32
      %mul3A_86 = arith.constant 5 : i32
      %mul3A_87 = arith.muli %add3A_85, %mul3A_86 : i32
      %add3A_88 = arith.constant 0 : i32
      %add3A_89 = arith.addi %mul3A_87, %add3A_88 : i32
      %mul3A_90 = arith.constant 80 : i32
      %mul3A_91 = arith.muli %add3A_89, %mul3A_90 : i32
      %dma_wait3A_92 = tpu.memref_slice %arg7[%mul3A_91] : memref<10000xi32, #tpu.memory_space<vmem>> -> memref<80xi32, #tpu.memory_space<vmem>>
      %dma_wait3A_93 = arith.constant 0 : i32
      %dma_wait3A_94 = arith.constant 0 : i32
      %dma_wait3A_95 = tpu.memref_slice %arg2[%dma_wait3A_93, %dma_wait3A_94] : memref<10000x32xf32, #tpu.memory_space<hbm>> -> memref<10000x32xf32, #tpu.memory_space<hbm>>
      tpu.wait_indirect_dma semaphore(%arg16 : memref<!tpu.dma_semaphore, #tpu.memory_space<semaphore_mem>>) src(%dma_wait3A_95 : memref<10000x32xf32, #tpu.memory_space<hbm>>) dst(%arg9 : memref<80x32xf32, #tpu.memory_space<vmem>>)
      %mul3A_96 = arith.constant 80 : i32
      %mul3A_97 = arith.muli %add3A_89, %mul3A_96 : i32
      %dma_start3A_98 = tpu.memref_slice %arg8[%mul3A_97] : memref<10000xi32, #tpu.memory_space<vmem>> -> memref<80xi32, #tpu.memory_space<vmem>>
      %dma_start3A_99 = arith.constant 0 : i32
      %dma_start3A_100 = arith.constant 0 : i32
      %dma_start3A_101 = tpu.memref_slice %arg14[%dma_start3A_99, %dma_start3A_100] : memref<10240x32xf32, #tpu.memory_space<vmem_shared>> -> memref<10240x32xf32, #tpu.memory_space<vmem_shared>>
      tpu.enqueue_indirect_dma source(%arg9 : memref<80x32xf32, #tpu.memory_space<vmem>>) target(%dma_start3A_101 : memref<10240x32xf32, #tpu.memory_space<vmem_shared>>) offsets(%dma_start3A_98 : memref<80xi32, #tpu.memory_space<vmem>>) semaphore(%arg21 : memref<!tpu.dma_semaphore, #tpu.memory_space<semaphore_mem>>) {add = true}
      %add3A_102 = arith.constant 5 : i32
      %add3A_103 = arith.addi %add3A_89, %add3A_102 : i32
      %sub3A = arith.constant 1 : i32
      %sub3A_104 = arith.subi %add3A_103, %sub3A : i32
      %lt3A = arith.constant 125 : i32
      %lt3A_105 = arith.cmpi slt, %sub3A_104, %lt3A : i32
      %convert_element_type3A = arith.extui %lt3A_105 : i1 to i32
      %cond3A = arith.constant 0 : i32
      %cond3A_106 = arith.cmpi ne, %convert_element_type3A, %cond3A : i32
      scf.if %cond3A_106 {
        %ge3A = arith.constant 1 : i32
        %ge3A_199 = arith.cmpi sge, %add3A_89, %ge3A : i32
        %convert_element_type3A_200 = arith.extui %ge3A_199 : i1 to i32
        %cond3A_201 = arith.constant 0 : i32
        %cond3A_202 = arith.cmpi ne, %convert_element_type3A_200, %cond3A_201 : i32
        scf.if %cond3A_202 {
          %sub3A_209 = arith.constant 1 : i32
          %sub3A_210 = arith.subi %add3A_89, %sub3A_209 : i32
          %mul3A_211 = arith.constant 80 : i32
          %mul3A_212 = arith.muli %sub3A_210, %mul3A_211 : i32
          %dma_wait3A_213 = tpu.memref_slice %arg8[%mul3A_212] : memref<10000xi32, #tpu.memory_space<vmem>> -> memref<80xi32, #tpu.memory_space<vmem>>
          %dma_wait3A_214 = arith.constant 0 : i32
          %dma_wait3A_215 = arith.constant 0 : i32
          %dma_wait3A_216 = tpu.memref_slice %arg14[%dma_wait3A_214, %dma_wait3A_215] : memref<10240x32xf32, #tpu.memory_space<vmem_shared>> -> memref<10240x32xf32, #tpu.memory_space<vmem_shared>>
          tpu.wait_indirect_dma semaphore(%arg25 : memref<!tpu.dma_semaphore, #tpu.memory_space<semaphore_mem>>) src(%arg13 : memref<80x32xf32, #tpu.memory_space<vmem>>) dst(%dma_wait3A_216 : memref<10240x32xf32, #tpu.memory_space<vmem_shared>>)
        } else {
        }
        %mul3A_203 = arith.constant 80 : i32
        %mul3A_204 = arith.muli %sub3A_104, %mul3A_203 : i32
        %dma_start3A_205 = tpu.memref_slice %arg7[%mul3A_204] : memref<10000xi32, #tpu.memory_space<vmem>> -> memref<80xi32, #tpu.memory_space<vmem>>
        %dma_start3A_206 = arith.constant 0 : i32
        %dma_start3A_207 = arith.constant 0 : i32
        %dma_start3A_208 = tpu.memref_slice %arg2[%dma_start3A_206, %dma_start3A_207] : memref<10000x32xf32, #tpu.memory_space<hbm>> -> memref<10000x32xf32, #tpu.memory_space<hbm>>
        tpu.enqueue_indirect_dma source(%dma_start3A_208 : memref<10000x32xf32, #tpu.memory_space<hbm>>) target(%arg13 : memref<80x32xf32, #tpu.memory_space<vmem>>) offsets(%dma_start3A_205 : memref<80xi32, #tpu.memory_space<vmem>>) semaphore(%arg20 : memref<!tpu.dma_semaphore, #tpu.memory_space<semaphore_mem>>)
      } else {
      }
      %add3A_107 = arith.constant 1 : i32
      %add3A_108 = arith.addi %mul3A_87, %add3A_107 : i32
      %mul3A_109 = arith.constant 80 : i32
      %mul3A_110 = arith.muli %add3A_108, %mul3A_109 : i32
      %dma_wait3A_111 = tpu.memref_slice %arg7[%mul3A_110] : memref<10000xi32, #tpu.memory_space<vmem>> -> memref<80xi32, #tpu.memory_space<vmem>>
      %dma_wait3A_112 = arith.constant 0 : i32
      %dma_wait3A_113 = arith.constant 0 : i32
      %dma_wait3A_114 = tpu.memref_slice %arg2[%dma_wait3A_112, %dma_wait3A_113] : memref<10000x32xf32, #tpu.memory_space<hbm>> -> memref<10000x32xf32, #tpu.memory_space<hbm>>
      tpu.wait_indirect_dma semaphore(%arg17 : memref<!tpu.dma_semaphore, #tpu.memory_space<semaphore_mem>>) src(%dma_wait3A_114 : memref<10000x32xf32, #tpu.memory_space<hbm>>) dst(%arg10 : memref<80x32xf32, #tpu.memory_space<vmem>>)
      %mul3A_115 = arith.constant 80 : i32
      %mul3A_116 = arith.muli %add3A_108, %mul3A_115 : i32
      %dma_start3A_117 = tpu.memref_slice %arg8[%mul3A_116] : memref<10000xi32, #tpu.memory_space<vmem>> -> memref<80xi32, #tpu.memory_space<vmem>>
      %dma_start3A_118 = arith.constant 0 : i32
      %dma_start3A_119 = arith.constant 0 : i32
      %dma_start3A_120 = tpu.memref_slice %arg14[%dma_start3A_118, %dma_start3A_119] : memref<10240x32xf32, #tpu.memory_space<vmem_shared>> -> memref<10240x32xf32, #tpu.memory_space<vmem_shared>>
      tpu.enqueue_indirect_dma source(%arg10 : memref<80x32xf32, #tpu.memory_space<vmem>>) target(%dma_start3A_120 : memref<10240x32xf32, #tpu.memory_space<vmem_shared>>) offsets(%dma_start3A_117 : memref<80xi32, #tpu.memory_space<vmem>>) semaphore(%arg22 : memref<!tpu.dma_semaphore, #tpu.memory_space<semaphore_mem>>) {add = true}
      %add3A_121 = arith.constant 5 : i32
      %add3A_122 = arith.addi %add3A_108, %add3A_121 : i32
      %sub3A_123 = arith.constant 1 : i32
      %sub3A_124 = arith.subi %add3A_122, %sub3A_123 : i32
      %lt3A_125 = arith.constant 125 : i32
      %lt3A_126 = arith.cmpi slt, %sub3A_124, %lt3A_125 : i32
      %convert_element_type3A_127 = arith.extui %lt3A_126 : i1 to i32
      %cond3A_128 = arith.constant 0 : i32
      %cond3A_129 = arith.cmpi ne, %convert_element_type3A_127, %cond3A_128 : i32
      scf.if %cond3A_129 {
        %ge3A = arith.constant 1 : i32
        %ge3A_199 = arith.cmpi sge, %add3A_108, %ge3A : i32
        %convert_element_type3A_200 = arith.extui %ge3A_199 : i1 to i32
        %cond3A_201 = arith.constant 0 : i32
        %cond3A_202 = arith.cmpi ne, %convert_element_type3A_200, %cond3A_201 : i32
        scf.if %cond3A_202 {
          %sub3A_209 = arith.constant 1 : i32
          %sub3A_210 = arith.subi %add3A_108, %sub3A_209 : i32
          %mul3A_211 = arith.constant 80 : i32
          %mul3A_212 = arith.muli %sub3A_210, %mul3A_211 : i32
          %dma_wait3A_213 = tpu.memref_slice %arg8[%mul3A_212] : memref<10000xi32, #tpu.memory_space<vmem>> -> memref<80xi32, #tpu.memory_space<vmem>>
          %dma_wait3A_214 = arith.constant 0 : i32
          %dma_wait3A_215 = arith.constant 0 : i32
          %dma_wait3A_216 = tpu.memref_slice %arg14[%dma_wait3A_214, %dma_wait3A_215] : memref<10240x32xf32, #tpu.memory_space<vmem_shared>> -> memref<10240x32xf32, #tpu.memory_space<vmem_shared>>
          tpu.wait_indirect_dma semaphore(%arg21 : memref<!tpu.dma_semaphore, #tpu.memory_space<semaphore_mem>>) src(%arg9 : memref<80x32xf32, #tpu.memory_space<vmem>>) dst(%dma_wait3A_216 : memref<10240x32xf32, #tpu.memory_space<vmem_shared>>)
        } else {
        }
        %mul3A_203 = arith.constant 80 : i32
        %mul3A_204 = arith.muli %sub3A_124, %mul3A_203 : i32
        %dma_start3A_205 = tpu.memref_slice %arg7[%mul3A_204] : memref<10000xi32, #tpu.memory_space<vmem>> -> memref<80xi32, #tpu.memory_space<vmem>>
        %dma_start3A_206 = arith.constant 0 : i32
        %dma_start3A_207 = arith.constant 0 : i32
        %dma_start3A_208 = tpu.memref_slice %arg2[%dma_start3A_206, %dma_start3A_207] : memref<10000x32xf32, #tpu.memory_space<hbm>> -> memref<10000x32xf32, #tpu.memory_space<hbm>>
        tpu.enqueue_indirect_dma source(%dma_start3A_208 : memref<10000x32xf32, #tpu.memory_space<hbm>>) target(%arg9 : memref<80x32xf32, #tpu.memory_space<vmem>>) offsets(%dma_start3A_205 : memref<80xi32, #tpu.memory_space<vmem>>) semaphore(%arg16 : memref<!tpu.dma_semaphore, #tpu.memory_space<semaphore_mem>>)
      } else {
      }
      %add3A_130 = arith.constant 2 : i32
      %add3A_131 = arith.addi %mul3A_87, %add3A_130 : i32
      %mul3A_132 = arith.constant 80 : i32
      %mul3A_133 = arith.muli %add3A_131, %mul3A_132 : i32
      %dma_wait3A_134 = tpu.memref_slice %arg7[%mul3A_133] : memref<10000xi32, #tpu.memory_space<vmem>> -> memref<80xi32, #tpu.memory_space<vmem>>
      %dma_wait3A_135 = arith.constant 0 : i32
      %dma_wait3A_136 = arith.constant 0 : i32
      %dma_wait3A_137 = tpu.memref_slice %arg2[%dma_wait3A_135, %dma_wait3A_136] : memref<10000x32xf32, #tpu.memory_space<hbm>> -> memref<10000x32xf32, #tpu.memory_space<hbm>>
      tpu.wait_indirect_dma semaphore(%arg18 : memref<!tpu.dma_semaphore, #tpu.memory_space<semaphore_mem>>) src(%dma_wait3A_137 : memref<10000x32xf32, #tpu.memory_space<hbm>>) dst(%arg11 : memref<80x32xf32, #tpu.memory_space<vmem>>)
      %mul3A_138 = arith.constant 80 : i32
      %mul3A_139 = arith.muli %add3A_131, %mul3A_138 : i32
      %dma_start3A_140 = tpu.memref_slice %arg8[%mul3A_139] : memref<10000xi32, #tpu.memory_space<vmem>> -> memref<80xi32, #tpu.memory_space<vmem>>
      %dma_start3A_141 = arith.constant 0 : i32
      %dma_start3A_142 = arith.constant 0 : i32
      %dma_start3A_143 = tpu.memref_slice %arg14[%dma_start3A_141, %dma_start3A_142] : memref<10240x32xf32, #tpu.memory_space<vmem_shared>> -> memref<10240x32xf32, #tpu.memory_space<vmem_shared>>
      tpu.enqueue_indirect_dma source(%arg11 : memref<80x32xf32, #tpu.memory_space<vmem>>) target(%dma_start3A_143 : memref<10240x32xf32, #tpu.memory_space<vmem_shared>>) offsets(%dma_start3A_140 : memref<80xi32, #tpu.memory_space<vmem>>) semaphore(%arg23 : memref<!tpu.dma_semaphore, #tpu.memory_space<semaphore_mem>>) {add = true}
      %add3A_144 = arith.constant 5 : i32
      %add3A_145 = arith.addi %add3A_131, %add3A_144 : i32
      %sub3A_146 = arith.constant 1 : i32
      %sub3A_147 = arith.subi %add3A_145, %sub3A_146 : i32
      %lt3A_148 = arith.constant 125 : i32
      %lt3A_149 = arith.cmpi slt, %sub3A_147, %lt3A_148 : i32
      %convert_element_type3A_150 = arith.extui %lt3A_149 : i1 to i32
      %cond3A_151 = arith.constant 0 : i32
      %cond3A_152 = arith.cmpi ne, %convert_element_type3A_150, %cond3A_151 : i32
      scf.if %cond3A_152 {
        %ge3A = arith.constant 1 : i32
        %ge3A_199 = arith.cmpi sge, %add3A_131, %ge3A : i32
        %convert_element_type3A_200 = arith.extui %ge3A_199 : i1 to i32
        %cond3A_201 = arith.constant 0 : i32
        %cond3A_202 = arith.cmpi ne, %convert_element_type3A_200, %cond3A_201 : i32
        scf.if %cond3A_202 {
          %sub3A_209 = arith.constant 1 : i32
          %sub3A_210 = arith.subi %add3A_131, %sub3A_209 : i32
          %mul3A_211 = arith.constant 80 : i32
          %mul3A_212 = arith.muli %sub3A_210, %mul3A_211 : i32
          %dma_wait3A_213 = tpu.memref_slice %arg8[%mul3A_212] : memref<10000xi32, #tpu.memory_space<vmem>> -> memref<80xi32, #tpu.memory_space<vmem>>
          %dma_wait3A_214 = arith.constant 0 : i32
          %dma_wait3A_215 = arith.constant 0 : i32
          %dma_wait3A_216 = tpu.memref_slice %arg14[%dma_wait3A_214, %dma_wait3A_215] : memref<10240x32xf32, #tpu.memory_space<vmem_shared>> -> memref<10240x32xf32, #tpu.memory_space<vmem_shared>>
          tpu.wait_indirect_dma semaphore(%arg22 : memref<!tpu.dma_semaphore, #tpu.memory_space<semaphore_mem>>) src(%arg10 : memref<80x32xf32, #tpu.memory_space<vmem>>) dst(%dma_wait3A_216 : memref<10240x32xf32, #tpu.memory_space<vmem_shared>>)
        } else {
        }
        %mul3A_203 = arith.constant 80 : i32
        %mul3A_204 = arith.muli %sub3A_147, %mul3A_203 : i32
        %dma_start3A_205 = tpu.memref_slice %arg7[%mul3A_204] : memref<10000xi32, #tpu.memory_space<vmem>> -> memref<80xi32, #tpu.memory_space<vmem>>
        %dma_start3A_206 = arith.constant 0 : i32
        %dma_start3A_207 = arith.constant 0 : i32
        %dma_start3A_208 = tpu.memref_slice %arg2[%dma_start3A_206, %dma_start3A_207] : memref<10000x32xf32, #tpu.memory_space<hbm>> -> memref<10000x32xf32, #tpu.memory_space<hbm>>
        tpu.enqueue_indirect_dma source(%dma_start3A_208 : memref<10000x32xf32, #tpu.memory_space<hbm>>) target(%arg10 : memref<80x32xf32, #tpu.memory_space<vmem>>) offsets(%dma_start3A_205 : memref<80xi32, #tpu.memory_space<vmem>>) semaphore(%arg17 : memref<!tpu.dma_semaphore, #tpu.memory_space<semaphore_mem>>)
      } else {
      }
      %add3A_153 = arith.constant 3 : i32
      %add3A_154 = arith.addi %mul3A_87, %add3A_153 : i32
      %mul3A_155 = arith.constant 80 : i32
      %mul3A_156 = arith.muli %add3A_154, %mul3A_155 : i32
      %dma_wait3A_157 = tpu.memref_slice %arg7[%mul3A_156] : memref<10000xi32, #tpu.memory_space<vmem>> -> memref<80xi32, #tpu.memory_space<vmem>>
      %dma_wait3A_158 = arith.constant 0 : i32
      %dma_wait3A_159 = arith.constant 0 : i32
      %dma_wait3A_160 = tpu.memref_slice %arg2[%dma_wait3A_158, %dma_wait3A_159] : memref<10000x32xf32, #tpu.memory_space<hbm>> -> memref<10000x32xf32, #tpu.memory_space<hbm>>
      tpu.wait_indirect_dma semaphore(%arg19 : memref<!tpu.dma_semaphore, #tpu.memory_space<semaphore_mem>>) src(%dma_wait3A_160 : memref<10000x32xf32, #tpu.memory_space<hbm>>) dst(%arg12 : memref<80x32xf32, #tpu.memory_space<vmem>>)
      %mul3A_161 = arith.constant 80 : i32
      %mul3A_162 = arith.muli %add3A_154, %mul3A_161 : i32
      %dma_start3A_163 = tpu.memref_slice %arg8[%mul3A_162] : memref<10000xi32, #tpu.memory_space<vmem>> -> memref<80xi32, #tpu.memory_space<vmem>>
      %dma_start3A_164 = arith.constant 0 : i32
      %dma_start3A_165 = arith.constant 0 : i32
      %dma_start3A_166 = tpu.memref_slice %arg14[%dma_start3A_164, %dma_start3A_165] : memref<10240x32xf32, #tpu.memory_space<vmem_shared>> -> memref<10240x32xf32, #tpu.memory_space<vmem_shared>>
      tpu.enqueue_indirect_dma source(%arg12 : memref<80x32xf32, #tpu.memory_space<vmem>>) target(%dma_start3A_166 : memref<10240x32xf32, #tpu.memory_space<vmem_shared>>) offsets(%dma_start3A_163 : memref<80xi32, #tpu.memory_space<vmem>>) semaphore(%arg24 : memref<!tpu.dma_semaphore, #tpu.memory_space<semaphore_mem>>) {add = true}
      %add3A_167 = arith.constant 5 : i32
      %add3A_168 = arith.addi %add3A_154, %add3A_167 : i32
      %sub3A_169 = arith.constant 1 : i32
      %sub3A_170 = arith.subi %add3A_168, %sub3A_169 : i32
      %lt3A_171 = arith.constant 125 : i32
      %lt3A_172 = arith.cmpi slt, %sub3A_170, %lt3A_171 : i32
      %convert_element_type3A_173 = arith.extui %lt3A_172 : i1 to i32
      %cond3A_174 = arith.constant 0 : i32
      %cond3A_175 = arith.cmpi ne, %convert_element_type3A_173, %cond3A_174 : i32
      scf.if %cond3A_175 {
        %ge3A = arith.constant 1 : i32
        %ge3A_199 = arith.cmpi sge, %add3A_154, %ge3A : i32
        %convert_element_type3A_200 = arith.extui %ge3A_199 : i1 to i32
        %cond3A_201 = arith.constant 0 : i32
        %cond3A_202 = arith.cmpi ne, %convert_element_type3A_200, %cond3A_201 : i32
        scf.if %cond3A_202 {
          %sub3A_209 = arith.constant 1 : i32
          %sub3A_210 = arith.subi %add3A_154, %sub3A_209 : i32
          %mul3A_211 = arith.constant 80 : i32
          %mul3A_212 = arith.muli %sub3A_210, %mul3A_211 : i32
          %dma_wait3A_213 = tpu.memref_slice %arg8[%mul3A_212] : memref<10000xi32, #tpu.memory_space<vmem>> -> memref<80xi32, #tpu.memory_space<vmem>>
          %dma_wait3A_214 = arith.constant 0 : i32
          %dma_wait3A_215 = arith.constant 0 : i32
          %dma_wait3A_216 = tpu.memref_slice %arg14[%dma_wait3A_214, %dma_wait3A_215] : memref<10240x32xf32, #tpu.memory_space<vmem_shared>> -> memref<10240x32xf32, #tpu.memory_space<vmem_shared>>
          tpu.wait_indirect_dma semaphore(%arg23 : memref<!tpu.dma_semaphore, #tpu.memory_space<semaphore_mem>>) src(%arg11 : memref<80x32xf32, #tpu.memory_space<vmem>>) dst(%dma_wait3A_216 : memref<10240x32xf32, #tpu.memory_space<vmem_shared>>)
        } else {
        }
        %mul3A_203 = arith.constant 80 : i32
        %mul3A_204 = arith.muli %sub3A_170, %mul3A_203 : i32
        %dma_start3A_205 = tpu.memref_slice %arg7[%mul3A_204] : memref<10000xi32, #tpu.memory_space<vmem>> -> memref<80xi32, #tpu.memory_space<vmem>>
        %dma_start3A_206 = arith.constant 0 : i32
        %dma_start3A_207 = arith.constant 0 : i32
        %dma_start3A_208 = tpu.memref_slice %arg2[%dma_start3A_206, %dma_start3A_207] : memref<10000x32xf32, #tpu.memory_space<hbm>> -> memref<10000x32xf32, #tpu.memory_space<hbm>>
        tpu.enqueue_indirect_dma source(%dma_start3A_208 : memref<10000x32xf32, #tpu.memory_space<hbm>>) target(%arg11 : memref<80x32xf32, #tpu.memory_space<vmem>>) offsets(%dma_start3A_205 : memref<80xi32, #tpu.memory_space<vmem>>) semaphore(%arg18 : memref<!tpu.dma_semaphore, #tpu.memory_space<semaphore_mem>>)
      } else {
      }
      %add3A_176 = arith.constant 4 : i32
      %add3A_177 = arith.addi %mul3A_87, %add3A_176 : i32
      %mul3A_178 = arith.constant 80 : i32
      %mul3A_179 = arith.muli %add3A_177, %mul3A_178 : i32
      %dma_wait3A_180 = tpu.memref_slice %arg7[%mul3A_179] : memref<10000xi32, #tpu.memory_space<vmem>> -> memref<80xi32, #tpu.memory_space<vmem>>
      %dma_wait3A_181 = arith.constant 0 : i32
      %dma_wait3A_182 = arith.constant 0 : i32
      %dma_wait3A_183 = tpu.memref_slice %arg2[%dma_wait3A_181, %dma_wait3A_182] : memref<10000x32xf32, #tpu.memory_space<hbm>> -> memref<10000x32xf32, #tpu.memory_space<hbm>>
      tpu.wait_indirect_dma semaphore(%arg20 : memref<!tpu.dma_semaphore, #tpu.memory_space<semaphore_mem>>) src(%dma_wait3A_183 : memref<10000x32xf32, #tpu.memory_space<hbm>>) dst(%arg13 : memref<80x32xf32, #tpu.memory_space<vmem>>)
      %mul3A_184 = arith.constant 80 : i32
      %mul3A_185 = arith.muli %add3A_177, %mul3A_184 : i32
      %dma_start3A_186 = tpu.memref_slice %arg8[%mul3A_185] : memref<10000xi32, #tpu.memory_space<vmem>> -> memref<80xi32, #tpu.memory_space<vmem>>
      %dma_start3A_187 = arith.constant 0 : i32
      %dma_start3A_188 = arith.constant 0 : i32
      %dma_start3A_189 = tpu.memref_slice %arg14[%dma_start3A_187, %dma_start3A_188] : memref<10240x32xf32, #tpu.memory_space<vmem_shared>> -> memref<10240x32xf32, #tpu.memory_space<vmem_shared>>
      tpu.enqueue_indirect_dma source(%arg13 : memref<80x32xf32, #tpu.memory_space<vmem>>) target(%dma_start3A_189 : memref<10240x32xf32, #tpu.memory_space<vmem_shared>>) offsets(%dma_start3A_186 : memref<80xi32, #tpu.memory_space<vmem>>) semaphore(%arg25 : memref<!tpu.dma_semaphore, #tpu.memory_space<semaphore_mem>>) {add = true}
      %add3A_190 = arith.constant 5 : i32
      %add3A_191 = arith.addi %add3A_177, %add3A_190 : i32
      %sub3A_192 = arith.constant 1 : i32
      %sub3A_193 = arith.subi %add3A_191, %sub3A_192 : i32
      %lt3A_194 = arith.constant 125 : i32
      %lt3A_195 = arith.cmpi slt, %sub3A_193, %lt3A_194 : i32
      %convert_element_type3A_196 = arith.extui %lt3A_195 : i1 to i32
      %cond3A_197 = arith.constant 0 : i32
      %cond3A_198 = arith.cmpi ne, %convert_element_type3A_196, %cond3A_197 : i32
      scf.if %cond3A_198 {
        %ge3A = arith.constant 1 : i32
        %ge3A_199 = arith.cmpi sge, %add3A_177, %ge3A : i32
        %convert_element_type3A_200 = arith.extui %ge3A_199 : i1 to i32
        %cond3A_201 = arith.constant 0 : i32
        %cond3A_202 = arith.cmpi ne, %convert_element_type3A_200, %cond3A_201 : i32
        scf.if %cond3A_202 {
          %sub3A_209 = arith.constant 1 : i32
          %sub3A_210 = arith.subi %add3A_177, %sub3A_209 : i32
          %mul3A_211 = arith.constant 80 : i32
          %mul3A_212 = arith.muli %sub3A_210, %mul3A_211 : i32
          %dma_wait3A_213 = tpu.memref_slice %arg8[%mul3A_212] : memref<10000xi32, #tpu.memory_space<vmem>> -> memref<80xi32, #tpu.memory_space<vmem>>
          %dma_wait3A_214 = arith.constant 0 : i32
          %dma_wait3A_215 = arith.constant 0 : i32
          %dma_wait3A_216 = tpu.memref_slice %arg14[%dma_wait3A_214, %dma_wait3A_215] : memref<10240x32xf32, #tpu.memory_space<vmem_shared>> -> memref<10240x32xf32, #tpu.memory_space<vmem_shared>>
          tpu.wait_indirect_dma semaphore(%arg24 : memref<!tpu.dma_semaphore, #tpu.memory_space<semaphore_mem>>) src(%arg12 : memref<80x32xf32, #tpu.memory_space<vmem>>) dst(%dma_wait3A_216 : memref<10240x32xf32, #tpu.memory_space<vmem_shared>>)
        } else {
        }
        %mul3A_203 = arith.constant 80 : i32
        %mul3A_204 = arith.muli %sub3A_193, %mul3A_203 : i32
        %dma_start3A_205 = tpu.memref_slice %arg7[%mul3A_204] : memref<10000xi32, #tpu.memory_space<vmem>> -> memref<80xi32, #tpu.memory_space<vmem>>
        %dma_start3A_206 = arith.constant 0 : i32
        %dma_start3A_207 = arith.constant 0 : i32
        %dma_start3A_208 = tpu.memref_slice %arg2[%dma_start3A_206, %dma_start3A_207] : memref<10000x32xf32, #tpu.memory_space<hbm>> -> memref<10000x32xf32, #tpu.memory_space<hbm>>
        tpu.enqueue_indirect_dma source(%dma_start3A_208 : memref<10000x32xf32, #tpu.memory_space<hbm>>) target(%arg12 : memref<80x32xf32, #tpu.memory_space<vmem>>) offsets(%dma_start3A_205 : memref<80xi32, #tpu.memory_space<vmem>>) semaphore(%arg19 : memref<!tpu.dma_semaphore, #tpu.memory_space<semaphore_mem>>)
      } else {
      }
    }
    %scan3A_50 = arith.constant 25 : i32
    %dma_wait3A_51 = arith.constant 9600 : i32
    %dma_wait3A_52 = tpu.memref_slice %arg8[%dma_wait3A_51] : memref<10000xi32, #tpu.memory_space<vmem>> -> memref<80xi32, #tpu.memory_space<vmem>>
    %dma_wait3A_53 = arith.constant 0 : i32
    %dma_wait3A_54 = arith.constant 0 : i32
    %dma_wait3A_55 = tpu.memref_slice %arg14[%dma_wait3A_53, %dma_wait3A_54] : memref<10240x32xf32, #tpu.memory_space<vmem_shared>> -> memref<10240x32xf32, #tpu.memory_space<vmem_shared>>
    tpu.wait_indirect_dma semaphore(%arg21 : memref<!tpu.dma_semaphore, #tpu.memory_space<semaphore_mem>>) src(%arg9 : memref<80x32xf32, #tpu.memory_space<vmem>>) dst(%dma_wait3A_55 : memref<10240x32xf32, #tpu.memory_space<vmem_shared>>)
    %dma_wait3A_56 = arith.constant 9680 : i32
    %dma_wait3A_57 = tpu.memref_slice %arg8[%dma_wait3A_56] : memref<10000xi32, #tpu.memory_space<vmem>> -> memref<80xi32, #tpu.memory_space<vmem>>
    %dma_wait3A_58 = arith.constant 0 : i32
    %dma_wait3A_59 = arith.constant 0 : i32
    %dma_wait3A_60 = tpu.memref_slice %arg14[%dma_wait3A_58, %dma_wait3A_59] : memref<10240x32xf32, #tpu.memory_space<vmem_shared>> -> memref<10240x32xf32, #tpu.memory_space<vmem_shared>>
    tpu.wait_indirect_dma semaphore(%arg22 : memref<!tpu.dma_semaphore, #tpu.memory_space<semaphore_mem>>) src(%arg10 : memref<80x32xf32, #tpu.memory_space<vmem>>) dst(%dma_wait3A_60 : memref<10240x32xf32, #tpu.memory_space<vmem_shared>>)
    %dma_wait3A_61 = arith.constant 9760 : i32
    %dma_wait3A_62 = tpu.memref_slice %arg8[%dma_wait3A_61] : memref<10000xi32, #tpu.memory_space<vmem>> -> memref<80xi32, #tpu.memory_space<vmem>>
    %dma_wait3A_63 = arith.constant 0 : i32
    %dma_wait3A_64 = arith.constant 0 : i32
    %dma_wait3A_65 = tpu.memref_slice %arg14[%dma_wait3A_63, %dma_wait3A_64] : memref<10240x32xf32, #tpu.memory_space<vmem_shared>> -> memref<10240x32xf32, #tpu.memory_space<vmem_shared>>
    tpu.wait_indirect_dma semaphore(%arg23 : memref<!tpu.dma_semaphore, #tpu.memory_space<semaphore_mem>>) src(%arg11 : memref<80x32xf32, #tpu.memory_space<vmem>>) dst(%dma_wait3A_65 : memref<10240x32xf32, #tpu.memory_space<vmem_shared>>)
    %dma_wait3A_66 = arith.constant 9840 : i32
    %dma_wait3A_67 = tpu.memref_slice %arg8[%dma_wait3A_66] : memref<10000xi32, #tpu.memory_space<vmem>> -> memref<80xi32, #tpu.memory_space<vmem>>
    %dma_wait3A_68 = arith.constant 0 : i32
    %dma_wait3A_69 = arith.constant 0 : i32
    %dma_wait3A_70 = tpu.memref_slice %arg14[%dma_wait3A_68, %dma_wait3A_69] : memref<10240x32xf32, #tpu.memory_space<vmem_shared>> -> memref<10240x32xf32, #tpu.memory_space<vmem_shared>>
    tpu.wait_indirect_dma semaphore(%arg24 : memref<!tpu.dma_semaphore, #tpu.memory_space<semaphore_mem>>) src(%arg12 : memref<80x32xf32, #tpu.memory_space<vmem>>) dst(%dma_wait3A_70 : memref<10240x32xf32, #tpu.memory_space<vmem_shared>>)
    %dma_wait3A_71 = arith.constant 9920 : i32
    %dma_wait3A_72 = tpu.memref_slice %arg8[%dma_wait3A_71] : memref<10000xi32, #tpu.memory_space<vmem>> -> memref<80xi32, #tpu.memory_space<vmem>>
    %dma_wait3A_73 = arith.constant 0 : i32
    %dma_wait3A_74 = arith.constant 0 : i32
    %dma_wait3A_75 = tpu.memref_slice %arg14[%dma_wait3A_73, %dma_wait3A_74] : memref<10240x32xf32, #tpu.memory_space<vmem_shared>> -> memref<10240x32xf32, #tpu.memory_space<vmem_shared>>
    tpu.wait_indirect_dma semaphore(%arg25 : memref<!tpu.dma_semaphore, #tpu.memory_space<semaphore_mem>>) src(%arg13 : memref<80x32xf32, #tpu.memory_space<vmem>>) dst(%dma_wait3A_75 : memref<10240x32xf32, #tpu.memory_space<vmem_shared>>)
    %barrier3A_76 = arith.constant 0 : index
    tpu.barrier barrier_id(%barrier3A_76)
    %mul3A_77 = arith.constant 640 : i32
    %mul3A_78 = arith.muli %arg1, %mul3A_77 : i32
    %mul3A_79 = arith.constant 640 : i32
    %mul3A_80 = arith.muli %arg1, %mul3A_79 : i32
    "tpu.region"() ({
      %run_scoped3A = tpu.sem_alloc : memref<!tpu.dma_semaphore, #tpu.memory_space<semaphore_mem>>
      %dma_start3A_81 = arith.constant 0 : i32
      %dma_start3A_82 = arith.constant 0 : i32
      %dma_start3A_83 = tpu.memref_slice %arg6[%arg0, %dma_start3A_81, %dma_start3A_82] : memref<2x10240x128xf32, #tpu.memory_space<hbm>> -> memref<1x10240x128xf32, #tpu.memory_space<hbm>>
      %dma_start3A_84 = tpu.memref_squeeze %dma_start3A_83 : memref<1x10240x128xf32, #tpu.memory_space<hbm>> -> memref<10240x128xf32, #tpu.memory_space<hbm>>
      %dma_start3A_85 = arith.constant 0 : i32
      %dma_start3A_86 = tpu.memref_slice %dma_start3A_84[%mul3A_80, %dma_start3A_85] : memref<10240x128xf32, #tpu.memory_space<hbm>> -> memref<640x32xf32, #tpu.memory_space<hbm>>
      %dma_start3A_87 = arith.constant 0 : i32
      %dma_start3A_88 = tpu.memref_slice %arg14[%mul3A_78, %dma_start3A_87] : memref<10240x32xf32, #tpu.memory_space<vmem_shared>> -> memref<640x32xf32, #tpu.memory_space<vmem_shared>>
      tpu.enqueue_dma source(%dma_start3A_88 : memref<640x32xf32, #tpu.memory_space<vmem_shared>>) target(%dma_start3A_86 : memref<640x32xf32, #tpu.memory_space<hbm>>) target_semaphore(%run_scoped3A : memref<!tpu.dma_semaphore, #tpu.memory_space<semaphore_mem>>)
      %dma_wait3A_89 = arith.constant 0 : i32
      %dma_wait3A_90 = arith.constant 0 : i32
      %dma_wait3A_91 = tpu.memref_slice %arg6[%arg0, %dma_wait3A_89, %dma_wait3A_90] : memref<2x10240x128xf32, #tpu.memory_space<hbm>> -> memref<1x10240x128xf32, #tpu.memory_space<hbm>>
      %dma_wait3A_92 = tpu.memref_squeeze %dma_wait3A_91 : memref<1x10240x128xf32, #tpu.memory_space<hbm>> -> memref<10240x128xf32, #tpu.memory_space<hbm>>
      %dma_wait3A_93 = arith.constant 0 : i32
      %dma_wait3A_94 = tpu.memref_slice %dma_wait3A_92[%mul3A_80, %dma_wait3A_93] : memref<10240x128xf32, #tpu.memory_space<hbm>> -> memref<640x32xf32, #tpu.memory_space<hbm>>
      %dma_wait3A_95 = arith.constant 0 : i32
      %dma_wait3A_96 = tpu.memref_slice %arg14[%mul3A_78, %dma_wait3A_95] : memref<10240x32xf32, #tpu.memory_space<vmem_shared>> -> memref<640x32xf32, #tpu.memory_space<vmem_shared>>
      tpu.wait_dma2 semaphore(%run_scoped3A : memref<!tpu.dma_semaphore, #tpu.memory_space<semaphore_mem>>) src(%dma_wait3A_96 : memref<640x32xf32, #tpu.memory_space<vmem_shared>>) dst(%dma_wait3A_94 : memref<640x32xf32, #tpu.memory_space<hbm>>)
      tpu.yield
    }) : () -> ()
    return
  }
}

module attributes {stable_mosaic.version = 14 : i64} {
  func.func @_mm_body(%arg0: i32, %arg1: memref<10000x128xf32, #tpu.memory_space<vmem>>, %arg2: memref<128x40xf32, #tpu.memory_space<vmem>>, %arg3: memref<1x40xf32, #tpu.memory_space<vmem>>, %arg4: memref<10000x40xf32, #tpu.memory_space<vmem>>) attributes {dimension_semantics = [#tpu.dimension_semantics<arbitrary>], iteration_bounds = array<i64: 1>, scalar_prefetch = 0 : i64, scratch_operands = 0 : i64, tpu.core_type = #tpu.core_type<tc>, window_params = [{transform_indices = @transform_0, window_bounds = array<i64: 10000, 128>}, {pipeline_mode = #tpu.pipeline_mode<synchronous>, transform_indices = @transform_1, window_bounds = array<i64: 128, 40>}, {pipeline_mode = #tpu.pipeline_mode<synchronous>, transform_indices = @transform_2, window_bounds = array<i64: 1, 40>}, {transform_indices = @transform_3, window_bounds = array<i64: 10000, 40>}]} {
    %get3A = arith.constant 0 : index
    %get3A_0 = arith.constant 0 : index
    %get3A_1 = vector.load %arg1[%get3A, %get3A_0] : memref<10000x128xf32, #tpu.memory_space<vmem>>, vector<10000x128xf32>
    %get3A_2 = arith.constant 0 : index
    %get3A_3 = arith.constant 0 : index
    %get3A_4 = vector.load %arg2[%get3A_2, %get3A_3] : memref<128x40xf32, #tpu.memory_space<vmem>>, vector<128x40xf32>
    %dot_general3A = arith.constant dense<0.000000e+00> : vector<10000x40xf32>
    %dot_general3A_5 = tpu.matmul %get3A_1, %get3A_4, %dot_general3A {dimension_numbers = #tpu.dot_dimension_numbers<[1], [0], [0], [1], [0, 0, 1, 1], [], []>, transpose_lhs_hint = false} : vector<10000x128xf32>, vector<128x40xf32>, vector<10000x40xf32> -> vector<10000x40xf32>
    %get3A_6 = arith.constant 0 : index
    %get3A_7 = arith.constant 0 : index
    %get3A_8 = vector.load %arg3[%get3A_6, %get3A_7] : memref<1x40xf32, #tpu.memory_space<vmem>>, vector<1x40xf32>
    %add3A = vector.broadcast %get3A_8 : vector<1x40xf32> to vector<10000x40xf32>
    %add3A_9 = arith.addf %dot_general3A_5, %add3A : vector<10000x40xf32>
    %swap3A = arith.constant 0 : index
    %swap3A_10 = arith.constant 0 : index
    %swap3A_11 = vector.load %arg4[%swap3A, %swap3A_10] : memref<10000x40xf32, #tpu.memory_space<vmem>>, vector<10000x40xf32>
    tpu.vector_store %arg4[%swap3A, %swap3A_10], %add3A_9 {strides = array<i32>} : memref<10000x40xf32, #tpu.memory_space<vmem>>, vector<10000x40xf32>,
    return
  }
  func.func @transform_0(%arg0: i32) -> (i32, i32) {
    %c0_i32 = arith.constant 0 : i32
    %c0_i32_0 = arith.constant 0 : i32
    return %arg0, %c0_i32 : i32, i32
  }
  func.func @transform_1(%arg0: i32) -> (i32, i32) {
    %c0_i32 = arith.constant 0 : i32
    %c0_i32_0 = arith.constant 0 : i32
    %c0_i32_1 = arith.constant 0 : i32
    return %c0_i32, %c0_i32_0 : i32, i32
  }
  func.func @transform_2(%arg0: i32) -> (i32, i32) {
    %c0_i32 = arith.constant 0 : i32
    %c0_i32_0 = arith.constant 0 : i32
    %c0_i32_1 = arith.constant 0 : i32
    return %c0_i32, %c0_i32_0 : i32, i32
  }
  func.func @transform_3(%arg0: i32) -> (i32, i32) {
    %c0_i32 = arith.constant 0 : i32
    %c0_i32_0 = arith.constant 0 : i32
    return %arg0, %c0_i32 : i32, i32
  }
}

module attributes {stable_mosaic.version = 14 : i64} {
  func.func @_esplit_body(%arg0: memref<2x320000xi32, #tpu.memory_space<vmem>>, %arg1: memref<320000xi32, #tpu.memory_space<vmem>>, %arg2: memref<320000xi32, #tpu.memory_space<vmem>>) attributes {dimension_semantics = [], scalar_prefetch = 0 : i64, scratch_operands = 0 : i64, tpu.core_type = #tpu.core_type<tc>} {
    %get3A = arith.constant 0 : index
    %get3A_0 = arith.constant 0 : index
    %get3A_1 = vector.load %arg0[%get3A, %get3A_0] : memref<2x320000xi32, #tpu.memory_space<vmem>>, vector<1x320000xi32>
    %get3A_2 = vector.shape_cast %get3A_1 : vector<1x320000xi32> to vector<320000xi32>
    %swap3A = arith.constant 0 : index
    %swap3A_3 = vector.load %arg1[%swap3A] : memref<320000xi32, #tpu.memory_space<vmem>>, vector<320000xi32>
    tpu.vector_store %arg1[%swap3A], %get3A_2 {strides = array<i32>} : memref<320000xi32, #tpu.memory_space<vmem>>, vector<320000xi32>,
    %get3A_4 = arith.constant 1 : index
    %get3A_5 = arith.constant 0 : index
    %get3A_6 = vector.load %arg0[%get3A_4, %get3A_5] : memref<2x320000xi32, #tpu.memory_space<vmem>>, vector<1x320000xi32>
    %get3A_7 = vector.shape_cast %get3A_6 : vector<1x320000xi32> to vector<320000xi32>
    %swap3A_8 = arith.constant 0 : index
    %swap3A_9 = vector.load %arg2[%swap3A_8] : memref<320000xi32, #tpu.memory_space<vmem>>, vector<320000xi32>
    tpu.vector_store %arg2[%swap3A_8], %get3A_7 {strides = array<i32>} : memref<320000xi32, #tpu.memory_space<vmem>>, vector<320000xi32>,
    return
  }
}

module attributes {stable_mosaic.version = 14 : i64} {
  func.func @_mm_body(%arg0: i32, %arg1: memref<10000x128xf32, #tpu.memory_space<vmem>>, %arg2: memref<128x32xf32, #tpu.memory_space<vmem>>, %arg3: memref<1x32xf32, #tpu.memory_space<vmem>>, %arg4: memref<10000x32xf32, #tpu.memory_space<vmem>>) attributes {dimension_semantics = [#tpu.dimension_semantics<arbitrary>], iteration_bounds = array<i64: 1>, scalar_prefetch = 0 : i64, scratch_operands = 0 : i64, tpu.core_type = #tpu.core_type<tc>, window_params = [{transform_indices = @transform_0, window_bounds = array<i64: 10000, 128>}, {pipeline_mode = #tpu.pipeline_mode<synchronous>, transform_indices = @transform_1, window_bounds = array<i64: 128, 32>}, {pipeline_mode = #tpu.pipeline_mode<synchronous>, transform_indices = @transform_2, window_bounds = array<i64: 1, 32>}, {transform_indices = @transform_3, window_bounds = array<i64: 10000, 32>}]} {
    %get3A = arith.constant 0 : index
    %get3A_0 = arith.constant 0 : index
    %get3A_1 = vector.load %arg1[%get3A, %get3A_0] : memref<10000x128xf32, #tpu.memory_space<vmem>>, vector<10000x128xf32>
    %get3A_2 = arith.constant 0 : index
    %get3A_3 = arith.constant 0 : index
    %get3A_4 = vector.load %arg2[%get3A_2, %get3A_3] : memref<128x32xf32, #tpu.memory_space<vmem>>, vector<128x32xf32>
    %dot_general3A = arith.constant dense<0.000000e+00> : vector<10000x32xf32>
    %dot_general3A_5 = tpu.matmul %get3A_1, %get3A_4, %dot_general3A {dimension_numbers = #tpu.dot_dimension_numbers<[1], [0], [0], [1], [0, 0, 1, 1], [], []>, transpose_lhs_hint = false} : vector<10000x128xf32>, vector<128x32xf32>, vector<10000x32xf32> -> vector<10000x32xf32>
    %get3A_6 = arith.constant 0 : index
    %get3A_7 = arith.constant 0 : index
    %get3A_8 = vector.load %arg3[%get3A_6, %get3A_7] : memref<1x32xf32, #tpu.memory_space<vmem>>, vector<1x32xf32>
    %add3A = vector.broadcast %get3A_8 : vector<1x32xf32> to vector<10000x32xf32>
    %add3A_9 = arith.addf %dot_general3A_5, %add3A : vector<10000x32xf32>
    %swap3A = arith.constant 0 : index
    %swap3A_10 = arith.constant 0 : index
    %swap3A_11 = vector.load %arg4[%swap3A, %swap3A_10] : memref<10000x32xf32, #tpu.memory_space<vmem>>, vector<10000x32xf32>
    tpu.vector_store %arg4[%swap3A, %swap3A_10], %add3A_9 {strides = array<i32>} : memref<10000x32xf32, #tpu.memory_space<vmem>>, vector<10000x32xf32>,
    return
  }
  func.func @transform_0(%arg0: i32) -> (i32, i32) {
    %c0_i32 = arith.constant 0 : i32
    %c0_i32_0 = arith.constant 0 : i32
    return %arg0, %c0_i32 : i32, i32
  }
  func.func @transform_1(%arg0: i32) -> (i32, i32) {
    %c0_i32 = arith.constant 0 : i32
    %c0_i32_0 = arith.constant 0 : i32
    %c0_i32_1 = arith.constant 0 : i32
    return %c0_i32, %c0_i32_0 : i32, i32
  }
  func.func @transform_2(%arg0: i32) -> (i32, i32) {
    %c0_i32 = arith.constant 0 : i32
    %c0_i32_0 = arith.constant 0 : i32
    %c0_i32_1 = arith.constant 0 : i32
    return %c0_i32, %c0_i32_0 : i32, i32
  }
  func.func @transform_3(%arg0: i32) -> (i32, i32) {
    %c0_i32 = arith.constant 0 : i32
    %c0_i32_0 = arith.constant 0 : i32
    return %arg0, %c0_i32 : i32, i32
  }
}

module attributes {stable_mosaic.version = 14 : i64} {
  func.func @_k2_body(%arg0: i32, %arg1: memref<2x10000x128xf32, #tpu.memory_space<vmem>>, %arg2: memref<10000x32xf32, #tpu.memory_space<vmem>>, %arg3: memref<1x32xf32, #tpu.memory_space<vmem>>, %arg4: memref<10000x32xf32, #tpu.memory_space<vmem>>) attributes {dimension_semantics = [#tpu.dimension_semantics<arbitrary>], iteration_bounds = array<i64: 1>, scalar_prefetch = 0 : i64, scratch_operands = 0 : i64, tpu.core_type = #tpu.core_type<tc>, window_params = [{transform_indices = @transform_0, window_bounds = array<i64: 2, 10000, 128>}, {transform_indices = @transform_1, window_bounds = array<i64: 10000, 32>}, {pipeline_mode = #tpu.pipeline_mode<synchronous>, transform_indices = @transform_2, window_bounds = array<i64: 1, 32>}, {transform_indices = @transform_3, window_bounds = array<i64: 10000, 32>}]} {
    %get3A = arith.constant 0 : index
    %get3A_0 = arith.constant 0 : index
    %get3A_1 = arith.constant 0 : index
    %get3A_2 = vector.load %arg1[%get3A, %get3A_0, %get3A_1] : memref<2x10000x128xf32, #tpu.memory_space<vmem>>, vector<1x10000x128xf32>
    %get3A_3 = vector.shape_cast %get3A_2 : vector<1x10000x128xf32> to vector<10000x128xf32>
    %get3A_4 = arith.constant 1 : index
    %get3A_5 = arith.constant 0 : index
    %get3A_6 = arith.constant 0 : index
    %get3A_7 = vector.load %arg1[%get3A_4, %get3A_5, %get3A_6] : memref<2x10000x128xf32, #tpu.memory_space<vmem>>, vector<1x10000x128xf32>
    %get3A_8 = vector.shape_cast %get3A_7 : vector<1x10000x128xf32> to vector<10000x128xf32>
    %add3A = arith.addf %get3A_3, %get3A_8 : vector<10000x128xf32>
    %slice3A = vector.extract_strided_slice %add3A {offsets = [0, 32], sizes = [10000, 1], strides = [1, 1]} : vector<10000x128xf32> to vector<10000x1xf32>
    %jit3A = arith.constant 1.000000e+00 : f32
    %max3A = vector.broadcast %jit3A : f32 to vector<10000x1xf32>
    %max3A_9 = arith.maximumf %max3A, %slice3A : vector<10000x1xf32>
    %div3A = arith.constant 1.000000e+00 : f32
    %div3A_10 = vector.broadcast %div3A : f32 to vector<10000x1xf32>
    %div3A_11 = arith.divf %div3A_10, %max3A_9 : vector<10000x1xf32>
    %slice3A_12 = vector.extract_strided_slice %add3A {offsets = [0, 0], sizes = [10000, 32], strides = [1, 1]} : vector<10000x128xf32> to vector<10000x32xf32>
    %mul3A = vector.broadcast %div3A_11 : vector<10000x1xf32> to vector<10000x32xf32>
    %mul3A_13 = arith.mulf %slice3A_12, %mul3A : vector<10000x32xf32>
    %get3A_14 = arith.constant 0 : index
    %get3A_15 = arith.constant 0 : index
    %get3A_16 = vector.load %arg3[%get3A_14, %get3A_15] : memref<1x32xf32, #tpu.memory_space<vmem>>, vector<1x32xf32>
    %add3A_17 = vector.broadcast %get3A_16 : vector<1x32xf32> to vector<10000x32xf32>
    %add3A_18 = arith.addf %mul3A_13, %add3A_17 : vector<10000x32xf32>
    %get3A_19 = arith.constant 0 : index
    %get3A_20 = arith.constant 0 : index
    %get3A_21 = vector.load %arg2[%get3A_19, %get3A_20] : memref<10000x32xf32, #tpu.memory_space<vmem>>, vector<10000x32xf32>
    %add3A_22 = arith.addf %add3A_18, %get3A_21 : vector<10000x32xf32>
    %max3A_23 = arith.constant 0.000000e+00 : f32
    %max3A_24 = vector.broadcast %max3A_23 : f32 to vector<10000x32xf32>
    %max3A_25 = arith.maximumf %add3A_22, %max3A_24 : vector<10000x32xf32>
    %swap3A = arith.constant 0 : index
    %swap3A_26 = arith.constant 0 : index
    %swap3A_27 = vector.load %arg4[%swap3A, %swap3A_26] : memref<10000x32xf32, #tpu.memory_space<vmem>>, vector<10000x32xf32>
    tpu.vector_store %arg4[%swap3A, %swap3A_26], %max3A_25 {strides = array<i32>} : memref<10000x32xf32, #tpu.memory_space<vmem>>, vector<10000x32xf32>,
    return
  }
  func.func @transform_0(%arg0: i32) -> (i32, i32, i32) {
    %c0_i32 = arith.constant 0 : i32
    %c0_i32_0 = arith.constant 0 : i32
    %c0_i32_1 = arith.constant 0 : i32
    return %c0_i32, %arg0, %c0_i32_0 : i32, i32, i32
  }
  func.func @transform_1(%arg0: i32) -> (i32, i32) {
    %c0_i32 = arith.constant 0 : i32
    %c0_i32_0 = arith.constant 0 : i32
    return %arg0, %c0_i32 : i32, i32
  }
  func.func @transform_2(%arg0: i32) -> (i32, i32) {
    %c0_i32 = arith.constant 0 : i32
    %c0_i32_0 = arith.constant 0 : i32
    %c0_i32_1 = arith.constant 0 : i32
    return %c0_i32, %c0_i32_0 : i32, i32
  }
  func.func @transform_3(%arg0: i32) -> (i32, i32) {
    %c0_i32 = arith.constant 0 : i32
    %c0_i32_0 = arith.constant 0 : i32
    return %arg0, %c0_i32 : i32, i32
  }
}

module attributes {stable_mosaic.version = 14 : i64} {
  func.func @_mm_body(%arg0: i32, %arg1: memref<10000x32xf32, #tpu.memory_space<vmem>>, %arg2: memref<32x128xf32, #tpu.memory_space<vmem>>, %arg3: memref<1x128xf32, #tpu.memory_space<vmem>>, %arg4: memref<10000x128xf32, #tpu.memory_space<vmem>>) attributes {dimension_semantics = [#tpu.dimension_semantics<arbitrary>], iteration_bounds = array<i64: 1>, scalar_prefetch = 0 : i64, scratch_operands = 0 : i64, tpu.core_type = #tpu.core_type<tc>, window_params = [{transform_indices = @transform_0, window_bounds = array<i64: 10000, 32>}, {pipeline_mode = #tpu.pipeline_mode<synchronous>, transform_indices = @transform_1, window_bounds = array<i64: 32, 128>}, {pipeline_mode = #tpu.pipeline_mode<synchronous>, transform_indices = @transform_2, window_bounds = array<i64: 1, 128>}, {transform_indices = @transform_3, window_bounds = array<i64: 10000, 128>}]} {
    %get3A = arith.constant 0 : index
    %get3A_0 = arith.constant 0 : index
    %get3A_1 = vector.load %arg1[%get3A, %get3A_0] : memref<10000x32xf32, #tpu.memory_space<vmem>>, vector<10000x32xf32>
    %get3A_2 = arith.constant 0 : index
    %get3A_3 = arith.constant 0 : index
    %get3A_4 = vector.load %arg2[%get3A_2, %get3A_3] : memref<32x128xf32, #tpu.memory_space<vmem>>, vector<32x128xf32>
    %dot_general3A = arith.constant dense<0.000000e+00> : vector<10000x128xf32>
    %dot_general3A_5 = tpu.matmul %get3A_1, %get3A_4, %dot_general3A {dimension_numbers = #tpu.dot_dimension_numbers<[1], [0], [0], [1], [0, 0, 1, 1], [], []>, transpose_lhs_hint = false} : vector<10000x32xf32>, vector<32x128xf32>, vector<10000x128xf32> -> vector<10000x128xf32>
    %get3A_6 = arith.constant 0 : index
    %get3A_7 = arith.constant 0 : index
    %get3A_8 = vector.load %arg3[%get3A_6, %get3A_7] : memref<1x128xf32, #tpu.memory_space<vmem>>, vector<1x128xf32>
    %add3A = vector.broadcast %get3A_8 : vector<1x128xf32> to vector<10000x128xf32>
    %add3A_9 = arith.addf %dot_general3A_5, %add3A : vector<10000x128xf32>
    %swap3A = arith.constant 0 : index
    %swap3A_10 = arith.constant 0 : index
    %swap3A_11 = vector.load %arg4[%swap3A, %swap3A_10] : memref<10000x128xf32, #tpu.memory_space<vmem>>, vector<10000x128xf32>
    tpu.vector_store %arg4[%swap3A, %swap3A_10], %add3A_9 {strides = array<i32>} : memref<10000x128xf32, #tpu.memory_space<vmem>>, vector<10000x128xf32>,
    return
  }
  func.func @transform_0(%arg0: i32) -> (i32, i32) {
    %c0_i32 = arith.constant 0 : i32
    %c0_i32_0 = arith.constant 0 : i32
    return %arg0, %c0_i32 : i32, i32
  }
  func.func @transform_1(%arg0: i32) -> (i32, i32) {
    %c0_i32 = arith.constant 0 : i32
    %c0_i32_0 = arith.constant 0 : i32
    %c0_i32_1 = arith.constant 0 : i32
    return %c0_i32, %c0_i32_0 : i32, i32
  }
  func.func @transform_2(%arg0: i32) -> (i32, i32) {
    %c0_i32 = arith.constant 0 : i32
    %c0_i32_0 = arith.constant 0 : i32
    %c0_i32_1 = arith.constant 0 : i32
    return %c0_i32, %c0_i32_0 : i32, i32
  }
  func.func @transform_3(%arg0: i32) -> (i32, i32) {
    %c0_i32 = arith.constant 0 : i32
    %c0_i32_0 = arith.constant 0 : i32
    return %arg0, %c0_i32 : i32, i32
  }
}

module attributes {stable_mosaic.version = 14 : i64} {
  func.func @_k3_body(%arg0: i32, %arg1: memref<2x10000x128xf32, #tpu.memory_space<vmem>>, %arg2: memref<2x10000x128xf32, #tpu.memory_space<vmem>>, %arg3: memref<10000x128xf32, #tpu.memory_space<vmem>>, %arg4: memref<32x128xf32, #tpu.memory_space<vmem>>, %arg5: memref<10000x128xf32, #tpu.memory_space<vmem>>) attributes {dimension_semantics = [#tpu.dimension_semantics<arbitrary>], iteration_bounds = array<i64: 1>, scalar_prefetch = 0 : i64, scratch_operands = 0 : i64, tpu.core_type = #tpu.core_type<tc>, window_params = [{transform_indices = @transform_0, window_bounds = array<i64: 2, 10000, 128>}, {transform_indices = @transform_1, window_bounds = array<i64: 2, 10000, 128>}, {transform_indices = @transform_2, window_bounds = array<i64: 10000, 128>}, {pipeline_mode = #tpu.pipeline_mode<synchronous>, transform_indices = @transform_3, window_bounds = array<i64: 32, 128>}, {transform_indices = @transform_4, window_bounds = array<i64: 10000, 128>}]} {
    %get3A = arith.constant 0 : index
    %get3A_0 = arith.constant 0 : index
    %get3A_1 = arith.constant 0 : index
    %get3A_2 = vector.load %arg2[%get3A, %get3A_0, %get3A_1] : memref<2x10000x128xf32, #tpu.memory_space<vmem>>, vector<1x10000x128xf32>
    %get3A_3 = vector.shape_cast %get3A_2 : vector<1x10000x128xf32> to vector<10000x128xf32>
    %slice3A = vector.extract_strided_slice %get3A_3 {offsets = [0, 32], sizes = [10000, 1], strides = [1, 1]} : vector<10000x128xf32> to vector<10000x1xf32>
    %get3A_4 = arith.constant 1 : index
    %get3A_5 = arith.constant 0 : index
    %get3A_6 = arith.constant 0 : index
    %get3A_7 = vector.load %arg2[%get3A_4, %get3A_5, %get3A_6] : memref<2x10000x128xf32, #tpu.memory_space<vmem>>, vector<1x10000x128xf32>
    %get3A_8 = vector.shape_cast %get3A_7 : vector<1x10000x128xf32> to vector<10000x128xf32>
    %slice3A_9 = vector.extract_strided_slice %get3A_8 {offsets = [0, 32], sizes = [10000, 1], strides = [1, 1]} : vector<10000x128xf32> to vector<10000x1xf32>
    %add3A = arith.addf %slice3A, %slice3A_9 : vector<10000x1xf32>
    %jit3A = arith.constant 1.000000e+00 : f32
    %max3A = vector.broadcast %jit3A : f32 to vector<10000x1xf32>
    %max3A_10 = arith.maximumf %max3A, %add3A : vector<10000x1xf32>
    %get3A_11 = arith.constant 0 : index
    %get3A_12 = arith.constant 0 : index
    %get3A_13 = arith.constant 0 : index
    %get3A_14 = vector.load %arg1[%get3A_11, %get3A_12, %get3A_13] : memref<2x10000x128xf32, #tpu.memory_space<vmem>>, vector<1x10000x128xf32>
    %get3A_15 = vector.shape_cast %get3A_14 : vector<1x10000x128xf32> to vector<10000x128xf32>
    %slice3A_16 = vector.extract_strided_slice %get3A_15 {offsets = [0, 0], sizes = [10000, 32], strides = [1, 1]} : vector<10000x128xf32> to vector<10000x32xf32>
    %get3A_17 = arith.constant 1 : index
    %get3A_18 = arith.constant 0 : index
    %get3A_19 = arith.constant 0 : index
    %get3A_20 = vector.load %arg1[%get3A_17, %get3A_18, %get3A_19] : memref<2x10000x128xf32, #tpu.memory_space<vmem>>, vector<1x10000x128xf32>
    %get3A_21 = vector.shape_cast %get3A_20 : vector<1x10000x128xf32> to vector<10000x128xf32>
    %slice3A_22 = vector.extract_strided_slice %get3A_21 {offsets = [0, 0], sizes = [10000, 32], strides = [1, 1]} : vector<10000x128xf32> to vector<10000x32xf32>
    %add3A_23 = arith.addf %slice3A_16, %slice3A_22 : vector<10000x32xf32>
    %div3A = vector.broadcast %max3A_10 : vector<10000x1xf32> to vector<10000x32xf32>
    %div3A_24 = arith.divf %add3A_23, %div3A : vector<10000x32xf32>
    %get3A_25 = arith.constant 0 : index
    %get3A_26 = arith.constant 0 : index
    %get3A_27 = vector.load %arg4[%get3A_25, %get3A_26] : memref<32x128xf32, #tpu.memory_space<vmem>>, vector<32x128xf32>
    %dot_general3A = arith.constant dense<0.000000e+00> : vector<10000x128xf32>
    %dot_general3A_28 = tpu.matmul %div3A_24, %get3A_27, %dot_general3A {dimension_numbers = #tpu.dot_dimension_numbers<[1], [0], [0], [1], [0, 0, 1, 1], [], []>, transpose_lhs_hint = false} : vector<10000x32xf32>, vector<32x128xf32>, vector<10000x128xf32> -> vector<10000x128xf32>
    %get3A_29 = arith.constant 0 : index
    %get3A_30 = arith.constant 0 : index
    %get3A_31 = vector.load %arg3[%get3A_29, %get3A_30] : memref<10000x128xf32, #tpu.memory_space<vmem>>, vector<10000x128xf32>
    %add3A_32 = arith.addf %dot_general3A_28, %get3A_31 : vector<10000x128xf32>
    %swap3A = arith.constant 0 : index
    %swap3A_33 = arith.constant 0 : index
    %swap3A_34 = vector.load %arg5[%swap3A, %swap3A_33] : memref<10000x128xf32, #tpu.memory_space<vmem>>, vector<10000x128xf32>
    tpu.vector_store %arg5[%swap3A, %swap3A_33], %add3A_32 {strides = array<i32>} : memref<10000x128xf32, #tpu.memory_space<vmem>>, vector<10000x128xf32>,
    return
  }
  func.func @transform_0(%arg0: i32) -> (i32, i32, i32) {
    %c0_i32 = arith.constant 0 : i32
    %c0_i32_0 = arith.constant 0 : i32
    %c0_i32_1 = arith.constant 0 : i32
    return %c0_i32, %arg0, %c0_i32_0 : i32, i32, i32
  }
  func.func @transform_1(%arg0: i32) -> (i32, i32, i32) {
    %c0_i32 = arith.constant 0 : i32
    %c0_i32_0 = arith.constant 0 : i32
    %c0_i32_1 = arith.constant 0 : i32
    return %c0_i32, %arg0, %c0_i32_0 : i32, i32, i32
  }
  func.func @transform_2(%arg0: i32) -> (i32, i32) {
    %c0_i32 = arith.constant 0 : i32
    %c0_i32_0 = arith.constant 0 : i32
    return %arg0, %c0_i32 : i32, i32
  }
  func.func @transform_3(%arg0: i32) -> (i32, i32) {
    %c0_i32 = arith.constant 0 : i32
    %c0_i32_0 = arith.constant 0 : i32
    %c0_i32_1 = arith.constant 0 : i32
    return %c0_i32, %c0_i32_0 : i32, i32
  }
  func.func @transform_4(%arg0: i32) -> (i32, i32) {
    %c0_i32 = arith.constant 0 : i32
    %c0_i32_0 = arith.constant 0 : i32
    return %arg0, %c0_i32 : i32, i32
  }
}

</mosaic_0001>

<sc_bundles>
// kernel: kernel.10.cloned.1.call-start
scs
__scs_entry_jumppad:
0x0: {  	(pc) =	sbr.rel $0x88, $3  }
0x1: {  	(tag) =	ssettag $0x0;
	lr =	simm.s32 $0x1  }
0x2: {  	[smem:$0x3F99] =	sst lr;
	_ =	strace $0xD0000000  }
0x3: {  	_ = 	snop  }
0x4: {  	_ = 	snop  }
0x5: {  	_ = 	snop  }
0x6: {  	_ = 	snop  }
0x7: {  	_ = 	snop  }
__scs_overlays_trampoline_lowered:
0x8: {  	[smem:$0x3FA8] =	sst s0  }
0x9: {  	[smem:$0x3FA9] =	sst s1  }
0xa: {  	[smem:$0x3FAA] =	sst s2  }
0xb: {  	[smem:$0x3FAB] =	sst s3  }
0xc: {  	[smem:$0x3FAC] =	sst s4  }
0xd: {  	[smem:$0x3FAD] =	sst s5  }
0xe: {  	[smem:$0x3FAE] =	sst s6  }
0xf: {  	[smem:$0x3FAF] =	sst s7  }
0x10: {  	[smem:$0x3FB0] =	sst s8  }
0x11: {  	[smem:$0x3FB1] =	sst s9;
	s0 =	simm.s32 @!p0 $0x0  }
0x12: {  	s1 =	sld [smem:$0x3F97];
	s0 =	simm.s32 @p0 $0x1  }
0x13: {  	[smem:$0x3FB2] =	sst s0;
	s0 =	simm.s32 @!p1 $0x0  }
0x14: {  	s2 =	sld [smem:$0x3F96];
	s0 =	simm.s32 @p1 $0x1  }
0x15: {  	[smem:$0x3FB3] =	sst s0;
	s0 =	simm.s32 @!p2 $0x0  }
0x16: {  	s3 =	sld [smem:$0x3FDB];
	s0 =	simm.s32 @p2 $0x1  }
0x17: {  	s4 =	simm.s32 $0x1BF5;
	[smem:$0x3FB5] =	sst s0  }
0x18: {  	s0 =	sld [smem:$0x3F98];
	_ =	swait.ge [sflag:s4], $0x0  }
0x19: {  	s7 =	sld [smem:$0x3F99]  }
0x1a: {  	s8 =	sadd.s32 $0xFFFFE003, lr  }
0x1b: {  	s9 =	sadd.s32 $0xFFFFFEF7, lr;
	s5 =	simm.s32 $0xFFFFFFFF;
	p2 =	slt.u32 s8, $0xFFFFF086  }
0x1c: {  	p1 =	slt.u32 s9, $0xF7A;
	s5 =	simm.s32 @!p2 $0x0  }
0x1d: {  	s5 =	simm.s32 @p1 $0x1;
	p0 =	seq.s32 s7, s2  }
0x1e: {  	s7 =	smul.u32 @!p0 $0xF7A, s2;
	p2 =	seq.s32 @!p0 s5, $0x0  }
0x1f: {  	s9 =	smul.u32 $0xF7A, s1;
	s8 =	simm.s32 @!p0 $0x1BF5;
	p2 =	por !p2, p0  }
0x20: {  	[sflag:s8] =	ssyncset.s32 @!p0 $0xFFFFF086;
	s6 =	sadd.s32 @!p0 s3, s7;
	s7 =	simm.s32 @!p0 $0x108  }
0x21: {  	s3 =	sadd.s32 s3, s9;
	s6 =	sadd.s32 @!p0 $0x88, s6;
	s7 =	simm.s32 @p2 $0x1082  }
0x22: {  	[simem:s7], [sflag:s8] =	dma.local @!p0 [hbm:s6], $0xF7A  }
0x23: {  	s9 =	sor.u32 $0xD0000000, s2;
	s6 =	simm.s32 $0x108;
	_ =	swait.ge @!p0 [sflag:s8], $0x0  }
0x24: {  	s3 =	sadd.s32 $0x88, s3;
	s6 =	simm.s32 @!p1 $0x1082;
	[sflag:s4] =	ssyncset.s32 $0xFFFFF086  }
0x25: {  	[simem:s6], [sflag:s4] =	dma.local [hbm:s3], $0xF7A  }
0x26: {  	[smem:$0x3F99] =	sst s1;
	(tag) =	ssettag s2;
	_ =	strace s9  }
0x27: {  	s1 =	sld [smem:$0x3FA9]  }
0x28: {  	s2 =	sld [smem:$0x3FAA]  }
0x29: {  	s4 =	sld [smem:$0x3FAC]  }
0x2a: {  	p0 =	seq.s32 s5, $0x0;
	s5 =	sld [smem:$0x3FAD]  }
0x2b: {  	s6 =	sld [smem:$0x3FAE]  }
0x2c: {  	s7 =	sld [smem:$0x3FAF]  }
0x2d: {  	s3 =	simm.s32 $0x108;
	s8 =	sld [smem:$0x3FB0]  }
0x2e: {  	s3 =	simm.s32 @!p0 $0x1082;
	s9 =	sld [smem:$0x3FB1]  }
0x2f: {  	lr =	sadd.s32 s0, s3;
	s0 =	sld [smem:$0x3FA8]  }
0x30: {  	s3 =	sld [smem:$0x3FAB]  }
0x31: {  	[smem:$0x3FB4] =	sst s10  }
0x32: {  	s10 =	sld [smem:$0x3FB2];
	_ =	sdelay $0x3  }
0x33: {  	p0 =	seq.s32 s10, $0x1;
	s10 =	sld [smem:$0x3FB4];
	_ =	sdelay $0x3  }
0x34: {  	[smem:$0x3FB4] =	sst s10  }
0x35: {  	s10 =	sld [smem:$0x3FB3];
	_ =	sdelay $0x3  }
0x36: {  	p1 =	seq.s32 s10, $0x1;
	s10 =	sld [smem:$0x3FB4];
	_ =	sdelay $0x3  }
0x37: {  	[smem:$0x3FB4] =	sst s10  }
0x38: {  	s10 =	sld [smem:$0x3FB5]  }
0x39: {  	_ = 	snop;
	(pc) =	sbr.ind lr, $3  }
0x3a: {  	_ = 	snop  }
0x3b: {  	_ = 	snop  }
0x3c: {  	p2 =	seq.s32 s10, $0x1;
	s10 =	sld [smem:$0x3FB4]  }
0x3d: {  	_ =	shalt  }
0x3e: {  	_ =	shalt  }
0x3f: {  	_ =	shalt  }
0x40: {  	_ =	shalt  }
0x41: {  	_ =	shalt  }
0x42: {  	_ =	shalt  }
0x43: {  	_ =	shalt  }
0x44: {  	_ =	shalt  }
0x45: {  	_ =	shalt  }
0x46: {  	_ =	shalt  }
0x47: {  	_ =	shalt  }
0x48: {  	_ =	shalt  }
0x49: {  	_ =	shalt  }
0x4a: {  	_ =	shalt  }
0x4b: {  	_ =	shalt  }
0x4c: {  	_ =	shalt  }
0x4d: {  	_ =	shalt  }
0x4e: {  	_ =	shalt  }
0x4f: {  	_ =	shalt  }
0x50: {  	_ =	shalt  }
0x51: {  	_ =	shalt  }
0x52: {  	_ =	shalt  }
0x53: {  	_ =	shalt  }
0x54: {  	_ =	shalt  }
0x55: {  	_ =	shalt  }
0x56: {  	_ =	shalt  }
0x57: {  	_ =	shalt  }
0x58: {  	_ =	shalt  }
0x59: {  	_ =	shalt  }
0x5a: {  	_ =	shalt  }
0x5b: {  	_ =	shalt  }
0x5c: {  	_ =	shalt  }
0x5d: {  	_ =	shalt  }
0x5e: {  	_ =	shalt  }
0x5f: {  	_ =	shalt  }
0x60: {  	_ =	shalt  }
0x61: {  	_ =	shalt  }
0x62: {  	_ =	shalt  }
0x63: {  	_ =	shalt  }
0x64: {  	_ =	shalt  }
0x65: {  	_ =	shalt  }
0x66: {  	_ =	shalt  }
0x67: {  	_ =	shalt  }
0x68: {  	_ =	shalt  }
0x69: {  	_ =	shalt  }
0x6a: {  	_ =	shalt  }
0x6b: {  	_ =	shalt  }
0x6c: {  	_ =	shalt  }
0x6d: {  	_ =	shalt  }
0x6e: {  	_ =	shalt  }
0x6f: {  	_ =	shalt  }
0x70: {  	_ =	shalt  }
0x71: {  	_ =	shalt  }
0x72: {  	_ =	shalt  }
0x73: {  	_ =	shalt  }
0x74: {  	_ =	shalt  }
0x75: {  	_ =	shalt  }
0x76: {  	_ =	shalt  }
0x77: {  	_ =	shalt  }
0x78: {  	_ =	shalt  }
0x79: {  	_ =	shalt  }
0x7a: {  	_ =	shalt  }
0x7b: {  	_ =	shalt  }
0x7c: {  	_ =	shalt  }
0x7d: {  	_ =	shalt  }
0x7e: {  	_ =	shalt  }
0x7f: {  	_ =	shalt  }
0x80: {  	_ =	shalt  }
0x81: {  	_ =	shalt  }
0x82: {  	_ =	shalt  }
0x83: {  	_ =	shalt  }
0x84: {  	_ =	shalt  }
0x85: {  	_ =	shalt  }
0x86: {  	_ =	shalt  }
0x87: {  	_ =	shalt  }
.Lfunc_end0:
.L_simem_size_0:
called_computation_lowered:
.L_overlay_start_0:
0x88: {  	s2 =	sld [smem:$0x3FD9]  }
0x89: {  	s3 =	sld [smem:$0x3FFE];
	_ =	sdelay $0x1  }
0x8a: {  	s1 =	srdreg.scid  }
0x8b: {  	s0 =	sand.u32 $0x1, s1  }
0x8c: {  	s17 =	sshll.u32 s0, $0xA;
	s2 =	sadd.s32 s3, s2  }
0x8d: {  	s2 =	sadd.s32 s2, s17  }
0x8e: {  	[smem:$0x3FC0] =	sst s2  }
0x8f: {  	_ = 	snop  }
0x90: {  	s2 =	sld [smem:$0x3FD0];
	(tm) =	ssettm $0x1  }
0x91: {  	s18 =	sld [smem:$0x3FFB];
	_ =	sdelay $0x3  }
0x92: {  	_ =	strace s18  }
0x93: {  	s3 =	sld [smem:$0x3FFC];
	_ =	sdelay $0x3  }
0x94: {  	_ =	strace s3  }
0x95: {  	s3 =	sld [smem:$0x3FFD];
	_ =	sdelay $0x3  }
0x96: {  	_ =	strace s3  }
0x97: {  	_ =	strace $0x8FFFFFFF  }
0x98: {  	s19 =	sld [smem:$0x3FDB];
	_ =	sdelay $0x1  }
0x99: {  	s4 =	simm.s32 $_scs_section_size  }
0x9a: {  	s5 =	simm.s32 $_size__tile_overlayer_lowered;
	s6 =	simm.s32 $_tile_overlayer_lowered  }
0x9b: {  	s22 =	simm.s32 $0x1BFF;
	s21 =	sshll.u32 s6, $0x1;
	s3 =	sadd.s32 s4, s19  }
0x9c: {  	s7 =	simm.s32 $0x0;
	s20 =	sshll.u32 s5, $0x1;
	s5 =	sadd.s32 s21, s3  }
0x9d: {  	[timem:s7], [sflag:s22] =	dma.local [hbm:s5], s20  }
0x9e: {  	_ =	swait.ge [sflag:s22], s20  }
0x9f: {  	s4 =	ssub.s32 $0x0, s20;
	[sflag:s22] =	ssyncset.done $0x0  }
0xa0: {  	[sflag:s22] =	ssyncadd.s32 s4;
	_ =	sdelay $0x1  }
0xa1: {  	s23 =	simm.s32 $0x1B8B  }
0xa2: {  	_ =	swait.ge [sflag:s23], $0x1  }
0xa3: {  	[sflag:s23] =	ssyncset.done $0x0  }
0xa4: {  	s25 =	simm.s32 $0x1B8E;
	s24 =	sld [smem:$0x3FFE];
	[sflag:s23] =	ssyncadd.s32 $0xFFFFFFFF  }
0xa5: {  	s26 =	simm.s32 $execute0_lowered;
	[smem:$0x3FD2] =	sst s25  }
0xa6: {  	s5 =	sshll.u32 s26, $0x1;
	_ =	strace $0x80000046;
	[dreg:$0x1] =	wrdreg $0xFFFFFFFF  }
0xa7: {  	s28 =	simm.s32 $_size_execute0_lowered;
	s3 =	sadd.s32 s3, s5;
	[dreg:$0x0] =	wrdreg $0x0  }
0xa8: {  	s5 =	sshll.u32 s28, $0x1;
	[dreg:$0x2] =	wrdreg s3  }
0xa9: {  	[dreg:$0x3] =	wrdreg s5  }
0xaa: {  	[dreg:$0x4] =	wrdreg $0xC0  }
0xab: {  	_ =	task [dreg:s7], $0x5FFFF  }
0xac: {  	[dreg:$0x1] =	wrdreg $0xFFFFFFFF  }
0xad: {  	[dreg:$0x0] =	wrdreg $0x60  }
0xae: {  	[dreg:$0x2] =	wrdreg s24  }
0xaf: {  	[dreg:$0x3] =	wrdreg s2  }
0xb0: {  	[dreg:$0x4] =	wrdreg $0x8CA00  }
0xb1: {  	[dreg:$0x5] =	wrdreg $0x9  }
0xb2: {  	_ =	task.clear_ibuf [dreg:s7], $0x6FFFF;
	_ =	strace $0x90000046  }
0xb3: {  	s29 =	simm.s32 $0x9;
	_ =	strace $0x80000048  }
0xb4: {  	_ =	swait.ge [sflag:s29], $0x1  }
0xb5: {  	[sflag:s29] =	ssyncadd.s32 $0xFFFFFFFF  }
0xb6: {  	_ =	strace $0x90000048  }
0xb7: {  	_ =	sfence  }
0xb8: {  	s30 =	sld [smem:$0x0];
	_ =	sdelay $0x2  }
0xb9: {  	s31 =	sshll.u32 s1, $0xD;
	s1 =	sshrl.u32 s1, $0x2  }
0xba: {  	s3 =	sand.u32 $0x4000, s31;
	s1 =	sadd.s32 s1, s30  }
0xbb: {  	s0 =	sor.u32 s3, s0;
	s1 =	sshll.u32 s1, $0x11  }
0xbc: {  	s0 =	sor.u32 s1, s0  }
0xbd: {  	s0 =	sadd.s32 $0x8F2B, s0  }
0xbe: {  	[sflag:s0] =	ssyncadd.remote.s32 $0x1  }
0xbf: {  	_ =	sfence.sel $0xFFFF  }
0xc0: {  	[dreg:$0x0] =	wrdreg $0xFFFFFFFF;
	(pc) =	sbr.abs _section_cstart, $3  }
0xc1: {  	[dreg:$0x1] =	wrdreg $0xFFFFFFFF  }
0xc2: {  	_ =	task.clear_ibuf [dreg:s7], $0x2FFFF;
	_ =	strace $0x9FFFFFFF  }
0xc3: {  	(tm) =	ssettm $0x7FFFFFFF  }
tec
execute0_lowered:
.L_overlay_start_1:
0x0: {  	(tag) =	ssettag $0x1  }
0x1: {  	s0 =	rddreg [dreg:$0x0]  }
0x2: {  	s1 =	rddreg [dreg:$0x1];
	s3 =	srdreg.scid  }
0x3: {  	s9 =	stileid.u32;
	s2 =	rddreg [dreg:$0x2];
	s13 =	simm.s32 $0x1  }
0x4: {  	s14 =	simm.s32 $0x50;
	s15 =	simm.s32 $0x4E20;
	s16 =	simm.s32 $0x5AA0  }
0x5: {  	s18 =	simm.s32 $0x6720;
	s20 =	simm.s32 $0x73A0;
	s21 =	simm.s32 $0x2  }
0x6: {  	s28 =	simm.s32 $0x7;
	s30 =	simm.s32 $0x4;
	s17 =	simm.s32 $0x5  }
0x7: {  	s29 =	simm.s32 $0x6;
	s19 =	simm.s32 $0xC;
	s31 =	simm.s32 $0x0  }
0x8: {  	s5 =	sand.u32 $0x1, s3;
	s4 =	sshll.u32 s9, $0x1;
	s8 =	smul.u32 $0x6400, s9  }
0x9: {  	s3 =	simm.s32 $0x0;
	s26 =	smul.u32 $0x2800, s9;
	s4 =	sor.u32 s5, s4  }
0xa: {  	[smem:$0x7FF] =	sst s3;
	s7 =	smul.u32 $0x28000, s5;
	s5 =	ssub.s32 $0x2, s5  }
0xb: {  	s6 =	smul.u32 $0x4E2, s4;
	_ =	strace $0x80000047;
	s4 =	sadd.s32 $0x15A00, s0  }
0xc: {  	s22 =	sshrl.u32 s5, $0x1;
	s24 =	sadd.s32 s8, s2;
	s8 =	sshrl.u32 s8, $0x3  }
0xd: {  	s5 =	ssub.s32 s5, s22;
	s1 =	sadd.s32 s1, s8;
	s12 =	sshrl.u32 s24, $0x3  }
0xe: {  	s22 =	simm.s32 $0x9;
	s6 =	sadd.s32 s6, s0;
	s0 =	sadd.s32 s7, s0  }
0xf: {  	s7 =	sshll.u32 s9, $0x6;
	[dreg:$0x6] =	wrdreg s1;
	s5 =	smax.u32 s5, $0x1  }
.Ltmp0:
0x10: {  	s23 =	sadd.s32 $0x1E00, s6;
	[dreg:$0x8] =	wrdreg s5;
	(pc) =	sbr.rel .LBB2_1-.Ltmp0, $4  }
0x11: {  	s1 =	simm.s32 $0x8;
	s6 =	sadd.s32 $0xBC00, s6;
	[dreg:$0x4] =	wrdreg s23  }
0x12: {  	s25 =	sor.u32 $0x1C01, s7;
	s0 =	sadd.s32 $0x21E00, s0;
	[dreg:$0x5] =	wrdreg s6  }
0x13: {  	[dreg:$0x7] =	wrdreg s25;
	s23 =	simm.s32 $0x8020;
	s24 =	sadd.s32 s26, s0  }
0x14: {  	s25 =	simm.s32 $0x3;
	s0 =	simm.s32 $0xA;
	s26 =	simm.s32 $0xB  }
.LBB2_4:
0x15: {  	_ =	swait.ge [sflag:s29], $0xC80  }
0x16: {  	[sflag:s29] =	ssyncset.done $0x0  }
0x17: {  	[sflag:s29] =	ssyncadd.s32 $0xFFFFF380  }
0x18: {  	[spmem:s2] =	stream.indirect.scatter.add.f32 [tilespmem:s23], [sflag:$0xB], $0x28, s8, s14, $0xb8;
	[tilespmem:$0xF0A0] =	vst v63  }
0x19: {  	_ =	swait.ge [sflag:s28], $0xC80  }
0x1a: {  	[sflag:s28] =	ssyncset.done $0x0  }
0x1b: {  	[sflag:s28] =	ssyncadd.s32 $0xFFFFF380  }
0x1c: {  	_ =	swait.ge [sflag:s1], $0xC80  }
0x1d: {  	[sflag:s1] =	ssyncset.done $0x0  }
0x1e: {  	[sflag:s1] =	ssyncadd.s32 $0xFFFFF380  }
0x1f: {  	_ =	swait.ge [sflag:s22], $0xC80  }
0x20: {  	[sflag:s22] =	ssyncset.done $0x0  }
0x21: {  	[sflag:s22] =	ssyncadd.s32 $0xFFFFF380  }
0x22: {  	_ =	swait.ge [sflag:s0], $0xC80  }
0x23: {  	[sflag:s0] =	ssyncset.done $0x0  }
0x24: {  	[sflag:s0] =	ssyncadd.s32 $0xFFFFF380  }
0x25: {  	_ =	swait.ge [sflag:s26], $0xC80  }
0x26: {  	[sflag:s26] =	ssyncset.done $0x0  }
0x27: {  	[sflag:s26] =	ssyncadd.s32 $0xFFFFF380  }
0x28: {  	s5 =	sor.u32 $0x1C0C, s7;
	s6 =	simm.s32 $0x10;
	[bflag:$0x0] =	sbarrier.arrive $0xFFFF  }
0x29: {  	[hbm:s24@s6], [sflag:s5] =	dma.strided [spmem:s12@s17], $0xC80, s13, $0x5   }
0x2a: {  	_ =	swait.ge [sflag:s19], $0xC80  }
0x2b: {  	s31 =	sadd.s32 $0x1, s31;
	s11 =	rddreg [dreg:$0x8]  }
0x2c: {  	p0 =	sne.s32 s31, s11  }
.Ltmp1:
0x2d: {  	_ = 	snop;
	(pc) =	sbr.rel @!p0 .LBB2_5-.Ltmp1, $3  }
0x2e: {  	_ =	sdelay $0x1  }
0x2f: {  	[sflag:s19] =	ssyncset.done $0x0  }
0x30: {  	[sflag:s19] =	ssyncadd.s32 $0xFFFFF380  }
.LBB2_1:
0x31: {  	s5 =	rddreg [dreg:$0x4]  }
0x32: {  	s9 =	rddreg [dreg:$0x5]  }
0x33: {  	s10 =	rddreg [dreg:$0x6]  }
0x34: {  	[tilespmem:s3], [sflag:$0x1] =	stream.linear.gather [hbm4b:s5+s3], $0x2710, $0x38;
	[tilespmem:$0xF0A0] =	vst v63  }
0x35: {  	s8 =	simm.s32 $0x2710;
	s6 =	rddreg [dreg:$0x7]  }
0x36: {  	[tilespmem:s8], [sflag:$0x1] =	stream.linear.gather [hbm4b:s9+s3], $0x2710, $0x38;
	[tilespmem:$0xF0A0] =	vst v63  }
0x37: {  	[spmem:s12], [sflag:s6] =	dma.local [hbm:s10], $0xC80  }
0x38: {  	_ =	swait.ge [sflag:s13], $0x2710  }
0x39: {  	[sflag:s13] =	ssyncset.done $0x0  }
0x3a: {  	[sflag:s13] =	ssyncadd.s32 $0xFFFFD8F0  }
0x3b: {  	_ =	swait.ge [sflag:s13], $0x2710  }
0x3c: {  	[sflag:s13] =	ssyncset.done $0x0  }
0x3d: {  	[sflag:s13] =	ssyncadd.s32 $0xFFFFD8F0  }
0x3e: {  	[tilespmem:s15], [sflag:$0x2] =	stream.indirect.gather [hbm4b:s4+s14], $0x28, s3, s14, $0xb8;
	[tilespmem:$0xF0A0] =	vst v63  }
0x3f: {  	_ = 	snop  }
0x40: {  	[tilespmem:s16], [sflag:$0x3] =	stream.indirect.gather [hbm4b:s4+s14], $0x28, s14, s14, $0xb8;
	[tilespmem:$0xF0A0] =	vst v63  }
0x41: {  	s11 =	simm.s32 $0xA0  }
0x42: {  	[tilespmem:s18], [sflag:$0x4] =	stream.indirect.gather [hbm4b:s4+s14], $0x28, s11, s14, $0xb8;
	[tilespmem:$0xF0A0] =	vst v63  }
0x43: {  	s6 =	simm.s32 $0xF0  }
0x44: {  	[tilespmem:s20], [sflag:$0x5] =	stream.indirect.gather [hbm4b:s4+s14], $0x28, s6, s14, $0xb8;
	[tilespmem:$0xF0A0] =	vst v63  }
0x45: {  	_ =	swait.ge [sflag:s13], $0xC80  }
0x46: {  	[sflag:s13] =	ssyncset.done $0x0  }
0x47: {  	[sflag:s13] =	ssyncadd.s32 $0xFFFFF380  }
0x48: {  	[bflag:$0x0] =	sbarrier.arrive $0xFFFF  }
0x49: {  	_ =	swait.ge [sflag:s21], $0xC80  }
0x4a: {  	[sflag:s21] =	ssyncset.done $0x0  }
0x4b: {  	[sflag:s21] =	ssyncadd.s32 $0xFFFFF380  }
0x4c: {  	[spmem:s2] =	stream.indirect.scatter.add.f32 [tilespmem:s15], [sflag:$0x7], $0x28, s8, s14, $0xb8;
	[tilespmem:$0xF0A0] =	vst v63  }
0x4d: {  	s8 =	simm.s32 $0x140  }
0x4e: {  	[tilespmem:s23], [sflag:$0x6] =	stream.indirect.gather [hbm4b:s4+s14], $0x28, s8, s14, $0xb8;
	[tilespmem:$0xF0A0] =	vst v63  }
0x4f: {  	_ =	swait.ge [sflag:s25], $0xC80  }
0x50: {  	[sflag:s25] =	ssyncset.done $0x0  }
0x51: {  	s9 =	simm.s32 $0x2760;
	[sflag:s25] =	ssyncadd.s32 $0xFFFFF380  }
0x52: {  	[spmem:s2] =	stream.indirect.scatter.add.f32 [tilespmem:s16], [sflag:$0x8], $0x28, s9, s14, $0xb8;
	[tilespmem:$0xF0A0] =	vst v63  }
0x53: {  	_ =	swait.ge [sflag:s28], $0xC80  }
0x54: {  	[sflag:s28] =	ssyncset.done $0x0  }
0x55: {  	s10 =	simm.s32 $0x190;
	[sflag:s28] =	ssyncadd.s32 $0xFFFFF380  }
0x56: {  	[tilespmem:s15], [sflag:$0x2] =	stream.indirect.gather [hbm4b:s4+s14], $0x28, s10, s14, $0xb8;
	[tilespmem:$0xF0A0] =	vst v63  }
0x57: {  	_ =	swait.ge [sflag:s30], $0xC80  }
0x58: {  	[sflag:s30] =	ssyncset.done $0x0  }
0x59: {  	s11 =	simm.s32 $0x27B0;
	[sflag:s30] =	ssyncadd.s32 $0xFFFFF380  }
0x5a: {  	[spmem:s2] =	stream.indirect.scatter.add.f32 [tilespmem:s18], [sflag:$0x9], $0x28, s11, s14, $0xb8;
	[tilespmem:$0xF0A0] =	vst v63  }
0x5b: {  	_ =	swait.ge [sflag:s1], $0xC80  }
0x5c: {  	[sflag:s1] =	ssyncset.done $0x0  }
0x5d: {  	s6 =	simm.s32 $0x1E0;
	[sflag:s1] =	ssyncadd.s32 $0xFFFFF380  }
0x5e: {  	[tilespmem:s16], [sflag:$0x3] =	stream.indirect.gather [hbm4b:s4+s14], $0x28, s6, s14, $0xb8;
	[tilespmem:$0xF0A0] =	vst v63  }
0x5f: {  	_ =	swait.ge [sflag:s17], $0xC80  }
0x60: {  	[sflag:s17] =	ssyncset.done $0x0  }
0x61: {  	s8 =	simm.s32 $0x2800;
	[sflag:s17] =	ssyncadd.s32 $0xFFFFF380  }
0x62: {  	[spmem:s2] =	stream.indirect.scatter.add.f32 [tilespmem:s20], [sflag:$0xA], $0x28, s8, s14, $0xb8;
	[tilespmem:$0xF0A0] =	vst v63  }
0x63: {  	_ =	swait.ge [sflag:s22], $0xC80  }
0x64: {  	[sflag:s22] =	ssyncset.done $0x0  }
0x65: {  	s9 =	simm.s32 $0x230;
	[sflag:s22] =	ssyncadd.s32 $0xFFFFF380  }
0x66: {  	[tilespmem:s18], [sflag:$0x4] =	stream.indirect.gather [hbm4b:s4+s14], $0x28, s9, s14, $0xb8;
	[tilespmem:$0xF0A0] =	vst v63  }
0x67: {  	_ =	swait.ge [sflag:s29], $0xC80  }
0x68: {  	[sflag:s29] =	ssyncset.done $0x0  }
0x69: {  	s10 =	simm.s32 $0x2850;
	[sflag:s29] =	ssyncadd.s32 $0xFFFFF380  }
0x6a: {  	[spmem:s2] =	stream.indirect.scatter.add.f32 [tilespmem:s23], [sflag:$0xB], $0x28, s10, s14, $0xb8;
	[tilespmem:$0xF0A0] =	vst v63  }
0x6b: {  	_ =	swait.ge [sflag:s0], $0xC80  }
0x6c: {  	[sflag:s0] =	ssyncset.done $0x0  }
0x6d: {  	s5 =	simm.s32 $0x0;
	s11 =	simm.s32 $0x280;
	[sflag:s0] =	ssyncadd.s32 $0xFFFFF380  }
0x6e: {  	[tilespmem:s20], [sflag:$0x5] =	stream.indirect.gather [hbm4b:s4+s14], $0x28, s11, s14, $0xb8;
	[tilespmem:$0xF0A0] =	vst v63  }
.LBB2_2:
0x6f: {  	_ =	swait.ge [sflag:s21], $0xC80  }
0x70: {  	s6 =	sshra.s32 s5, $0x2;
	[sflag:s21] =	ssyncset.done $0x0  }
0x71: {  	s8 =	sadd.s32 $0x28A0, s6;
	[sflag:s21] =	ssyncadd.s32 $0xFFFFF380  }
0x72: {  	[spmem:s2] =	stream.indirect.scatter.add.f32 [tilespmem:s15], [sflag:$0x7], $0x28, s8, s14, $0xb8;
	[tilespmem:$0xF0A0] =	vst v63  }
0x73: {  	_ =	swait.ge [sflag:s26], $0xC80  }
0x74: {  	[sflag:s26] =	ssyncset.done $0x0  }
0x75: {  	s9 =	sadd.s32 $0x2D0, s6;
	[sflag:s26] =	ssyncadd.s32 $0xFFFFF380  }
0x76: {  	[tilespmem:s23], [sflag:$0x6] =	stream.indirect.gather [hbm4b:s4+s14], $0x28, s9, s14, $0xb8;
	[tilespmem:$0xF0A0] =	vst v63  }
0x77: {  	_ =	swait.ge [sflag:s25], $0xC80  }
0x78: {  	p0 =	seq.s32 s5, $0x8FC0;
	[sflag:s25] =	ssyncset.done $0x0  }
0x79: {  	s10 =	sadd.s32 $0x28F0, s6;
	s8 =	simm.s32 @p0 $0x4;
	[sflag:s25] =	ssyncadd.s32 $0xFFFFF380  }
0x7a: {  	[spmem:s2] =	stream.indirect.scatter.add.f32 [tilespmem:s16], [sflag:$0x8], $0x28, s10, s14, $0xb8;
	[tilespmem:$0xF0A0] =	vst v63  }
0x7b: {  	_ =	swait.ge @p0 [sflag:s8], $0xC80  }
0x7c: {  	[sflag:s8] =	ssyncset.done @p0 $0x0  }
0x7d: {  	[sflag:s8] =	ssyncadd.s32 @p0 $0xFFFFF380;
	s8 =	sshra.s32 @p0 s5, $0x2  }
0x7e: {  	s11 =	simm.s32 @p0 $0x6720;
	s9 =	simm.s32 @p0 $0x50;
	s8 =	sadd.s32 @p0 $0x2940, s8  }
0x7f: {  	[spmem:s2] =	stream.indirect.scatter.add.f32 @p0 [tilespmem:s11], [sflag:$0x9], $0x28, s8, s9, $0xb8;
	[tilespmem:$0xF0A0] =	vst v63  }
0x80: {  	s8 =	simm.s32 @!p0 $0x7  }
0x81: {  	_ =	swait.ge @!p0 [sflag:s8], $0xC80  }
0x82: {  	[sflag:s8] =	ssyncset.done @!p0 $0x0  }
0x83: {  	[sflag:s8] =	ssyncadd.s32 @!p0 $0xFFFFF380;
	s8 =	sshra.s32 @!p0 s5, $0x2  }
0x84: {  	s10 =	simm.s32 @!p0 $0x4E20;
	s11 =	simm.s32 @!p0 $0x50;
	s9 =	sadd.s32 @!p0 $0x320, s8  }
0x85: {  	[tilespmem:s10], [sflag:$0x2] =	stream.indirect.gather @!p0 [hbm4b:s4+s11], $0x28, s9, s11, $0xb8;
	[tilespmem:$0xF0A0] =	vst v63  }
0x86: {  	s9 =	simm.s32 @!p0 $0x4  }
0x87: {  	_ =	swait.ge @!p0 [sflag:s9], $0xC80  }
0x88: {  	[sflag:s9] =	ssyncset.done @!p0 $0x0  }
0x89: {  	s10 =	simm.s32 @!p0 $0x6720;
	[sflag:s9] =	ssyncadd.s32 @!p0 $0xFFFFF380;
	s9 =	sadd.s32 @!p0 $0x2940, s8  }
0x8a: {  	[spmem:s2] =	stream.indirect.scatter.add.f32 @!p0 [tilespmem:s10], [sflag:$0x9], $0x28, s9, s11, $0xb8;
	[tilespmem:$0xF0A0] =	vst v63  }
0x8b: {  	s9 =	simm.s32 @!p0 $0x8  }
0x8c: {  	_ =	swait.ge @!p0 [sflag:s9], $0xC80  }
0x8d: {  	[sflag:s9] =	ssyncset.done @!p0 $0x0  }
0x8e: {  	s8 =	sadd.s32 @!p0 $0x370, s8;
	[sflag:s9] =	ssyncadd.s32 @!p0 $0xFFFFF380;
	s9 =	simm.s32 @!p0 $0x5AA0  }
0x8f: {  	[tilespmem:s9], [sflag:$0x3] =	stream.indirect.gather @!p0 [hbm4b:s4+s11], $0x28, s8, s11, $0xb8;
	[tilespmem:$0xF0A0] =	vst v63  }
.Ltmp2:
0x90: {  	_ = 	snop;
	(pc) =	sbr.rel @p0 .LBB2_4-.Ltmp2, $4  }
0x91: {  	_ =	swait.ge [sflag:s17], $0xC80  }
0x92: {  	[sflag:s17] =	ssyncset.done $0x0  }
0x93: {  	s11 =	sadd.s32 $0x2990, s6;
	s8 =	sadd.s32 $0x29E0, s6;
	[sflag:s17] =	ssyncadd.s32 $0xFFFFF380  }
0x94: {  	[spmem:s2] =	stream.indirect.scatter.add.f32 [tilespmem:s20], [sflag:$0xA], $0x28, s11, s14, $0xb8;
	[tilespmem:$0xF0A0] =	vst v63  }
0x95: {  	_ =	swait.ge [sflag:s22], $0xC80  }
0x96: {  	[sflag:s22] =	ssyncset.done $0x0  }
0x97: {  	s9 =	sadd.s32 $0x3C0, s6;
	[sflag:s22] =	ssyncadd.s32 $0xFFFFF380  }
0x98: {  	[tilespmem:s18], [sflag:$0x4] =	stream.indirect.gather [hbm4b:s4+s14], $0x28, s9, s14, $0xb8;
	[tilespmem:$0xF0A0] =	vst v63  }
0x99: {  	_ =	swait.ge [sflag:s29], $0xC80  }
0x9a: {  	[sflag:s29] =	ssyncset.done $0x0  }
0x9b: {  	[sflag:s29] =	ssyncadd.s32 $0xFFFFF380  }
0x9c: {  	[spmem:s2] =	stream.indirect.scatter.add.f32 [tilespmem:s23], [sflag:$0xB], $0x28, s8, s14, $0xb8;
	[tilespmem:$0xF0A0] =	vst v63  }
.Ltmp3:
0x9d: {  	_ = 	snop;
	(pc) =	sbr.rel .LBB2_2-.Ltmp3, $4  }
0x9e: {  	_ =	swait.ge [sflag:s0], $0xC80  }
0x9f: {  	[sflag:s0] =	ssyncset.done $0x0  }
0xa0: {  	s11 =	sadd.s32 $0x410, s6;
	s5 =	sadd.s32 $0x640, s5;
	[sflag:s0] =	ssyncadd.s32 $0xFFFFF380  }
0xa1: {  	[tilespmem:s20], [sflag:$0x5] =	stream.indirect.gather [hbm4b:s4+s14], $0x28, s11, s14, $0xb8;
	[tilespmem:$0xF0A0] =	vst v63  }
.LBB2_5:
0xa2: {  	_ =	sfence.sel $0x180000  }
0xa3: {  	[bflag:$0x0] =	sbarrier.arrive $0xFFFF  }
0xa4: {  	_ =	strace $0x90000047  }
0xa5: {  	s0 =	stileid.u32;
	[bflag:$0x2] =	sbarrier.arrive $0xFFFF  }
0xa6: {  	p0 =	sne.s32 s0, $0x0;
	s0 =	rddreg [dreg:$0x3]  }
0xa7: {  	s0 =	sadd.s32 @!p0 $0x100000, s0  }
0xa8: {  	[sflag:s0] =	ssyncadd.tile.s32 @!p0 $0x1;
	_ =	shalt  }
.Lfunc_end2:
_tile_overlayer_lowered:
.L_overlay_start_2:
0xa9: {  	(tag) =	ssettag $0x2  }
0xaa: {  	s0 =	rddreg [dreg:$0x0];
	s2 =	stileid.u32  }
0xab: {  	s1 =	rddreg [dreg:$0x1];
	p0 =	sne.s32 s2, $0x0  }
0xac: {  	s3 =	rddreg [dreg:$0x2];
	[bflag:$0x3] =	sbarrier.arrive $0xFFFF;
	s2 =	simm.s32 @!p0 $0x1C0C  }
0xad: {  	[timem:s3], [sflag:s2] =	dma.local @!p0 [hbm:s0], s1  }
0xae: {  	s0 =	simm.s32 @!p0 $0xC  }
0xaf: {  	_ =	swait.ge @!p0 [sflag:s0], s1  }
0xb0: {  	s1 =	ssub.s32 @!p0 $0x0, s1;
	[sflag:s0] =	ssyncset.done @!p0 $0x0  }
0xb1: {  	[sflag:s0] =	ssyncadd.s32 @!p0 s1  }
0xb2: {  	[bflag:$0x3] =	sbarrier.arrive $0xFFFF  }
0xb3: {  	_ =	shalt  }

// kernel: kernel.13.cloned.1.call-start
scs
__scs_entry_jumppad:
0x0: {  	(pc) =	sbr.rel $0x88, $3  }
0x1: {  	(tag) =	ssettag $0x0;
	lr =	simm.s32 $0x1  }
0x2: {  	[smem:$0x3F99] =	sst lr;
	_ =	strace $0xD0000000  }
0x3: {  	_ = 	snop  }
0x4: {  	_ = 	snop  }
0x5: {  	_ = 	snop  }
0x6: {  	_ = 	snop  }
0x7: {  	_ = 	snop  }
__scs_overlays_trampoline_lowered:
0x8: {  	[smem:$0x3FA8] =	sst s0  }
0x9: {  	[smem:$0x3FA9] =	sst s1  }
0xa: {  	[smem:$0x3FAA] =	sst s2  }
0xb: {  	[smem:$0x3FAB] =	sst s3  }
0xc: {  	[smem:$0x3FAC] =	sst s4  }
0xd: {  	[smem:$0x3FAD] =	sst s5  }
0xe: {  	[smem:$0x3FAE] =	sst s6  }
0xf: {  	[smem:$0x3FAF] =	sst s7  }
0x10: {  	[smem:$0x3FB0] =	sst s8  }
0x11: {  	[smem:$0x3FB1] =	sst s9;
	s0 =	simm.s32 @!p0 $0x0  }
0x12: {  	s1 =	sld [smem:$0x3F97];
	s0 =	simm.s32 @p0 $0x1  }
0x13: {  	[smem:$0x3FB2] =	sst s0;
	s0 =	simm.s32 @!p1 $0x0  }
0x14: {  	s2 =	sld [smem:$0x3F96];
	s0 =	simm.s32 @p1 $0x1  }
0x15: {  	[smem:$0x3FB3] =	sst s0;
	s0 =	simm.s32 @!p2 $0x0  }
0x16: {  	s3 =	sld [smem:$0x3FDB];
	s0 =	simm.s32 @p2 $0x1  }
0x17: {  	s4 =	simm.s32 $0x1BF5;
	[smem:$0x3FB5] =	sst s0  }
0x18: {  	s0 =	sld [smem:$0x3F98];
	_ =	swait.ge [sflag:s4], $0x0  }
0x19: {  	s7 =	sld [smem:$0x3F99]  }
0x1a: {  	s8 =	sadd.s32 $0xFFFFE003, lr  }
0x1b: {  	s9 =	sadd.s32 $0xFFFFFEF7, lr;
	s5 =	simm.s32 $0xFFFFFFFF;
	p2 =	slt.u32 s8, $0xFFFFF086  }
0x1c: {  	p1 =	slt.u32 s9, $0xF7A;
	s5 =	simm.s32 @!p2 $0x0  }
0x1d: {  	s5 =	simm.s32 @p1 $0x1;
	p0 =	seq.s32 s7, s2  }
0x1e: {  	s7 =	smul.u32 @!p0 $0xF7A, s2;
	p2 =	seq.s32 @!p0 s5, $0x0  }
0x1f: {  	s9 =	smul.u32 $0xF7A, s1;
	s8 =	simm.s32 @!p0 $0x1BF5;
	p2 =	por !p2, p0  }
0x20: {  	[sflag:s8] =	ssyncset.s32 @!p0 $0xFFFFF086;
	s6 =	sadd.s32 @!p0 s3, s7;
	s7 =	simm.s32 @!p0 $0x108  }
0x21: {  	s3 =	sadd.s32 s3, s9;
	s6 =	sadd.s32 @!p0 $0x88, s6;
	s7 =	simm.s32 @p2 $0x1082  }
0x22: {  	[simem:s7], [sflag:s8] =	dma.local @!p0 [hbm:s6], $0xF7A  }
0x23: {  	s9 =	sor.u32 $0xD0000000, s2;
	s6 =	simm.s32 $0x108;
	_ =	swait.ge @!p0 [sflag:s8], $0x0  }
0x24: {  	s3 =	sadd.s32 $0x88, s3;
	s6 =	simm.s32 @!p1 $0x1082;
	[sflag:s4] =	ssyncset.s32 $0xFFFFF086  }
0x25: {  	[simem:s6], [sflag:s4] =	dma.local [hbm:s3], $0xF7A  }
0x26: {  	[smem:$0x3F99] =	sst s1;
	(tag) =	ssettag s2;
	_ =	strace s9  }
0x27: {  	s1 =	sld [smem:$0x3FA9]  }
0x28: {  	s2 =	sld [smem:$0x3FAA]  }
0x29: {  	s4 =	sld [smem:$0x3FAC]  }
0x2a: {  	p0 =	seq.s32 s5, $0x0;
	s5 =	sld [smem:$0x3FAD]  }
0x2b: {  	s6 =	sld [smem:$0x3FAE]  }
0x2c: {  	s7 =	sld [smem:$0x3FAF]  }
0x2d: {  	s3 =	simm.s32 $0x108;
	s8 =	sld [smem:$0x3FB0]  }
0x2e: {  	s3 =	simm.s32 @!p0 $0x1082;
	s9 =	sld [smem:$0x3FB1]  }
0x2f: {  	lr =	sadd.s32 s0, s3;
	s0 =	sld [smem:$0x3FA8]  }
0x30: {  	s3 =	sld [smem:$0x3FAB]  }
0x31: {  	[smem:$0x3FB4] =	sst s10  }
0x32: {  	s10 =	sld [smem:$0x3FB2];
	_ =	sdelay $0x3  }
0x33: {  	p0 =	seq.s32 s10, $0x1;
	s10 =	sld [smem:$0x3FB4];
	_ =	sdelay $0x3  }
0x34: {  	[smem:$0x3FB4] =	sst s10  }
0x35: {  	s10 =	sld [smem:$0x3FB3];
	_ =	sdelay $0x3  }
0x36: {  	p1 =	seq.s32 s10, $0x1;
	s10 =	sld [smem:$0x3FB4];
	_ =	sdelay $0x3  }
0x37: {  	[smem:$0x3FB4] =	sst s10  }
0x38: {  	s10 =	sld [smem:$0x3FB5]  }
0x39: {  	_ = 	snop;
	(pc) =	sbr.ind lr, $3  }
0x3a: {  	_ = 	snop  }
0x3b: {  	_ = 	snop  }
0x3c: {  	p2 =	seq.s32 s10, $0x1;
	s10 =	sld [smem:$0x3FB4]  }
0x3d: {  	_ =	shalt  }
0x3e: {  	_ =	shalt  }
0x3f: {  	_ =	shalt  }
0x40: {  	_ =	shalt  }
0x41: {  	_ =	shalt  }
0x42: {  	_ =	shalt  }
0x43: {  	_ =	shalt  }
0x44: {  	_ =	shalt  }
0x45: {  	_ =	shalt  }
0x46: {  	_ =	shalt  }
0x47: {  	_ =	shalt  }
0x48: {  	_ =	shalt  }
0x49: {  	_ =	shalt  }
0x4a: {  	_ =	shalt  }
0x4b: {  	_ =	shalt  }
0x4c: {  	_ =	shalt  }
0x4d: {  	_ =	shalt  }
0x4e: {  	_ =	shalt  }
0x4f: {  	_ =	shalt  }
0x50: {  	_ =	shalt  }
0x51: {  	_ =	shalt  }
0x52: {  	_ =	shalt  }
0x53: {  	_ =	shalt  }
0x54: {  	_ =	shalt  }
0x55: {  	_ =	shalt  }
0x56: {  	_ =	shalt  }
0x57: {  	_ =	shalt  }
0x58: {  	_ =	shalt  }
0x59: {  	_ =	shalt  }
0x5a: {  	_ =	shalt  }
0x5b: {  	_ =	shalt  }
0x5c: {  	_ =	shalt  }
0x5d: {  	_ =	shalt  }
0x5e: {  	_ =	shalt  }
0x5f: {  	_ =	shalt  }
0x60: {  	_ =	shalt  }
0x61: {  	_ =	shalt  }
0x62: {  	_ =	shalt  }
0x63: {  	_ =	shalt  }
0x64: {  	_ =	shalt  }
0x65: {  	_ =	shalt  }
0x66: {  	_ =	shalt  }
0x67: {  	_ =	shalt  }
0x68: {  	_ =	shalt  }
0x69: {  	_ =	shalt  }
0x6a: {  	_ =	shalt  }
0x6b: {  	_ =	shalt  }
0x6c: {  	_ =	shalt  }
0x6d: {  	_ =	shalt  }
0x6e: {  	_ =	shalt  }
0x6f: {  	_ =	shalt  }
0x70: {  	_ =	shalt  }
0x71: {  	_ =	shalt  }
0x72: {  	_ =	shalt  }
0x73: {  	_ =	shalt  }
0x74: {  	_ =	shalt  }
0x75: {  	_ =	shalt  }
0x76: {  	_ =	shalt  }
0x77: {  	_ =	shalt  }
0x78: {  	_ =	shalt  }
0x79: {  	_ =	shalt  }
0x7a: {  	_ =	shalt  }
0x7b: {  	_ =	shalt  }
0x7c: {  	_ =	shalt  }
0x7d: {  	_ =	shalt  }
0x7e: {  	_ =	shalt  }
0x7f: {  	_ =	shalt  }
0x80: {  	_ =	shalt  }
0x81: {  	_ =	shalt  }
0x82: {  	_ =	shalt  }
0x83: {  	_ =	shalt  }
0x84: {  	_ =	shalt  }
0x85: {  	_ =	shalt  }
0x86: {  	_ =	shalt  }
0x87: {  	_ =	shalt  }
.Lfunc_end0:
.L_simem_size_0:
called_computation.1_lowered:
.L_overlay_start_0:
0x88: {  	s2 =	sld [smem:$0x3FD9]  }
0x89: {  	s3 =	sld [smem:$0x3FFE];
	_ =	sdelay $0x1  }
0x8a: {  	s1 =	srdreg.scid  }
0x8b: {  	s0 =	sand.u32 $0x1, s1  }
0x8c: {  	s17 =	sshll.u32 s0, $0xA;
	s2 =	sadd.s32 s3, s2  }
0x8d: {  	s2 =	sadd.s32 s2, s17  }
0x8e: {  	[smem:$0x3FC0] =	sst s2  }
0x8f: {  	_ = 	snop  }
0x90: {  	s2 =	sld [smem:$0x3FD0];
	(tm) =	ssettm $0x1  }
0x91: {  	s18 =	sld [smem:$0x3FFB];
	_ =	sdelay $0x3  }
0x92: {  	_ =	strace s18  }
0x93: {  	s3 =	sld [smem:$0x3FFC];
	_ =	sdelay $0x3  }
0x94: {  	_ =	strace s3  }
0x95: {  	s3 =	sld [smem:$0x3FFD];
	_ =	sdelay $0x3  }
0x96: {  	_ =	strace s3  }
0x97: {  	_ =	strace $0x8FFFFFFF  }
0x98: {  	s19 =	sld [smem:$0x3FDB];
	_ =	sdelay $0x1  }
0x99: {  	s4 =	simm.s32 $_scs_section_size  }
0x9a: {  	s5 =	simm.s32 $_size__tile_overlayer_lowered;
	s6 =	simm.s32 $_tile_overlayer_lowered  }
0x9b: {  	s22 =	simm.s32 $0x1BFF;
	s21 =	sshll.u32 s6, $0x1;
	s3 =	sadd.s32 s4, s19  }
0x9c: {  	s7 =	simm.s32 $0x0;
	s20 =	sshll.u32 s5, $0x1;
	s5 =	sadd.s32 s21, s3  }
0x9d: {  	[timem:s7], [sflag:s22] =	dma.local [hbm:s5], s20  }
0x9e: {  	_ =	swait.ge [sflag:s22], s20  }
0x9f: {  	s4 =	ssub.s32 $0x0, s20;
	[sflag:s22] =	ssyncset.done $0x0  }
0xa0: {  	[sflag:s22] =	ssyncadd.s32 s4;
	_ =	sdelay $0x1  }
0xa1: {  	s23 =	simm.s32 $0x1B8B  }
0xa2: {  	_ =	swait.ge [sflag:s23], $0x1  }
0xa3: {  	[sflag:s23] =	ssyncset.done $0x0  }
0xa4: {  	s25 =	simm.s32 $0x1B8E;
	s24 =	sld [smem:$0x3FFE];
	[sflag:s23] =	ssyncadd.s32 $0xFFFFFFFF  }
0xa5: {  	s26 =	simm.s32 $execute0_lowered;
	[smem:$0x3FD2] =	sst s25  }
0xa6: {  	s5 =	sshll.u32 s26, $0x1;
	_ =	strace $0x80000049;
	[dreg:$0x1] =	wrdreg $0xFFFFFFFF  }
0xa7: {  	s28 =	simm.s32 $_size_execute0_lowered;
	s3 =	sadd.s32 s3, s5;
	[dreg:$0x0] =	wrdreg $0x0  }
0xa8: {  	s5 =	sshll.u32 s28, $0x1;
	[dreg:$0x2] =	wrdreg s3  }
0xa9: {  	[dreg:$0x3] =	wrdreg s5  }
0xaa: {  	[dreg:$0x4] =	wrdreg $0xC0  }
0xab: {  	_ =	task [dreg:s7], $0x5FFFF  }
0xac: {  	[dreg:$0x1] =	wrdreg $0xFFFFFFFF  }
0xad: {  	[dreg:$0x0] =	wrdreg $0x60  }
0xae: {  	[dreg:$0x2] =	wrdreg s24  }
0xaf: {  	[dreg:$0x3] =	wrdreg s2  }
0xb0: {  	[dreg:$0x4] =	wrdreg $0x80200  }
0xb1: {  	[dreg:$0x5] =	wrdreg $0x9  }
0xb2: {  	_ =	task.clear_ibuf [dreg:s7], $0x6FFFF;
	_ =	strace $0x90000049  }
0xb3: {  	s29 =	simm.s32 $0x9;
	_ =	strace $0x8000004B  }
0xb4: {  	_ =	swait.ge [sflag:s29], $0x1  }
0xb5: {  	[sflag:s29] =	ssyncadd.s32 $0xFFFFFFFF  }
0xb6: {  	_ =	strace $0x9000004B  }
0xb7: {  	_ =	sfence  }
0xb8: {  	s30 =	sld [smem:$0x0];
	_ =	sdelay $0x2  }
0xb9: {  	s31 =	sshll.u32 s1, $0xD;
	s1 =	sshrl.u32 s1, $0x2  }
0xba: {  	s3 =	sand.u32 $0x4000, s31;
	s1 =	sadd.s32 s1, s30  }
0xbb: {  	s0 =	sor.u32 s3, s0;
	s1 =	sshll.u32 s1, $0x11  }
0xbc: {  	s0 =	sor.u32 s1, s0  }
0xbd: {  	s0 =	sadd.s32 $0x8F2B, s0  }
0xbe: {  	[sflag:s0] =	ssyncadd.remote.s32 $0x1  }
0xbf: {  	_ =	sfence.sel $0xFFFF  }
0xc0: {  	[dreg:$0x0] =	wrdreg $0xFFFFFFFF;
	(pc) =	sbr.abs _section_cstart, $3  }
0xc1: {  	[dreg:$0x1] =	wrdreg $0xFFFFFFFF  }
0xc2: {  	_ =	task.clear_ibuf [dreg:s7], $0x2FFFF;
	_ =	strace $0x9FFFFFFF  }
0xc3: {  	(tm) =	ssettm $0x7FFFFFFF  }
tec
execute0_lowered:
.L_overlay_start_1:
0x0: {  	(tag) =	ssettag $0x1  }
0x1: {  	s0 =	rddreg [dreg:$0x0]  }
0x2: {  	s1 =	rddreg [dreg:$0x1];
	s3 =	srdreg.scid  }
0x3: {  	s9 =	stileid.u32;
	s2 =	rddreg [dreg:$0x2];
	s13 =	simm.s32 $0x1  }
0x4: {  	s14 =	simm.s32 $0x50;
	s15 =	simm.s32 $0x4E20;
	s16 =	simm.s32 $0x5820  }
0x5: {  	s18 =	simm.s32 $0x6220;
	s20 =	simm.s32 $0x6C20;
	s21 =	simm.s32 $0x2  }
0x6: {  	s28 =	simm.s32 $0x7;
	s30 =	simm.s32 $0x4;
	s17 =	simm.s32 $0x5  }
0x7: {  	s29 =	simm.s32 $0x6;
	s19 =	simm.s32 $0xC;
	s31 =	simm.s32 $0x0  }
0x8: {  	s5 =	sand.u32 $0x1, s3;
	s4 =	sshll.u32 s9, $0x1;
	s8 =	smul.u32 $0x5000, s9  }
0x9: {  	s3 =	simm.s32 $0x0;
	s26 =	smul.u32 $0x2800, s9;
	s4 =	sor.u32 s5, s4  }
0xa: {  	[smem:$0x7FF] =	sst s3;
	s7 =	smul.u32 $0x28000, s5;
	s5 =	ssub.s32 $0x2, s5  }
0xb: {  	s6 =	smul.u32 $0x4E2, s4;
	_ =	strace $0x8000004A;
	s4 =	sadd.s32 $0x15A00, s0  }
0xc: {  	s22 =	sshrl.u32 s5, $0x1;
	s24 =	sadd.s32 s8, s2;
	s8 =	sshrl.u32 s8, $0x3  }
0xd: {  	s5 =	ssub.s32 s5, s22;
	s1 =	sadd.s32 s1, s8;
	s12 =	sshrl.u32 s24, $0x3  }
0xe: {  	s22 =	simm.s32 $0x9;
	s6 =	sadd.s32 s6, s0;
	s0 =	sadd.s32 s7, s0  }
0xf: {  	s7 =	sshll.u32 s9, $0x6;
	[dreg:$0x6] =	wrdreg s1;
	s5 =	smax.u32 s5, $0x1  }
.Ltmp0:
0x10: {  	s23 =	sadd.s32 $0x1E00, s6;
	[dreg:$0x8] =	wrdreg s5;
	(pc) =	sbr.rel .LBB2_1-.Ltmp0, $4  }
0x11: {  	s1 =	simm.s32 $0x8;
	s6 =	sadd.s32 $0xBC00, s6;
	[dreg:$0x4] =	wrdreg s23  }
0x12: {  	s25 =	sor.u32 $0x1C01, s7;
	s0 =	sadd.s32 $0x71E00, s0;
	[dreg:$0x5] =	wrdreg s6  }
0x13: {  	[dreg:$0x7] =	wrdreg s25;
	s23 =	simm.s32 $0x7620;
	s24 =	sadd.s32 s26, s0  }
0x14: {  	s25 =	simm.s32 $0x3;
	s0 =	simm.s32 $0xA;
	s26 =	simm.s32 $0xB  }
.LBB2_4:
0x15: {  	_ =	swait.ge [sflag:s29], $0xA00  }
0x16: {  	[sflag:s29] =	ssyncset.done $0x0  }
0x17: {  	[sflag:s29] =	ssyncadd.s32 $0xFFFFF600  }
0x18: {  	[spmem:s2] =	stream.indirect.scatter.add.f32 [tilespmem:s23], [sflag:$0xB], $0x20, s8, s14, $0xb8;
	[tilespmem:$0xD020] =	vst v63  }
0x19: {  	_ =	swait.ge [sflag:s28], $0xA00  }
0x1a: {  	[sflag:s28] =	ssyncset.done $0x0  }
0x1b: {  	[sflag:s28] =	ssyncadd.s32 $0xFFFFF600  }
0x1c: {  	_ =	swait.ge [sflag:s1], $0xA00  }
0x1d: {  	[sflag:s1] =	ssyncset.done $0x0  }
0x1e: {  	[sflag:s1] =	ssyncadd.s32 $0xFFFFF600  }
0x1f: {  	_ =	swait.ge [sflag:s22], $0xA00  }
0x20: {  	[sflag:s22] =	ssyncset.done $0x0  }
0x21: {  	[sflag:s22] =	ssyncadd.s32 $0xFFFFF600  }
0x22: {  	_ =	swait.ge [sflag:s0], $0xA00  }
0x23: {  	[sflag:s0] =	ssyncset.done $0x0  }
0x24: {  	[sflag:s0] =	ssyncadd.s32 $0xFFFFF600  }
0x25: {  	_ =	swait.ge [sflag:s26], $0xA00  }
0x26: {  	[sflag:s26] =	ssyncset.done $0x0  }
0x27: {  	[sflag:s26] =	ssyncadd.s32 $0xFFFFF600  }
0x28: {  	s5 =	sor.u32 $0x1C0C, s7;
	s6 =	simm.s32 $0x10;
	[bflag:$0x0] =	sbarrier.arrive $0xFFFF  }
0x29: {  	[hbm:s24@s6], [sflag:s5] =	dma.strided [spmem:s12@s30], $0xA00, s13, $0x4   }
0x2a: {  	_ =	swait.ge [sflag:s19], $0xA00  }
0x2b: {  	s31 =	sadd.s32 $0x1, s31;
	s11 =	rddreg [dreg:$0x8]  }
0x2c: {  	p0 =	sne.s32 s31, s11  }
.Ltmp1:
0x2d: {  	_ = 	snop;
	(pc) =	sbr.rel @!p0 .LBB2_5-.Ltmp1, $3  }
0x2e: {  	_ =	sdelay $0x1  }
0x2f: {  	[sflag:s19] =	ssyncset.done $0x0  }
0x30: {  	[sflag:s19] =	ssyncadd.s32 $0xFFFFF600  }
.LBB2_1:
0x31: {  	s5 =	rddreg [dreg:$0x4]  }
0x32: {  	s9 =	rddreg [dreg:$0x5]  }
0x33: {  	s10 =	rddreg [dreg:$0x6]  }
0x34: {  	[tilespmem:s3], [sflag:$0x1] =	stream.linear.gather [hbm4b:s5+s3], $0x2710, $0x38;
	[tilespmem:$0xD020] =	vst v63  }
0x35: {  	s8 =	simm.s32 $0x2710;
	s6 =	rddreg [dreg:$0x7]  }
0x36: {  	[tilespmem:s8], [sflag:$0x1] =	stream.linear.gather [hbm4b:s9+s3], $0x2710, $0x38;
	[tilespmem:$0xD020] =	vst v63  }
0x37: {  	[spmem:s12], [sflag:s6] =	dma.local [hbm:s10], $0xA00  }
0x38: {  	_ =	swait.ge [sflag:s13], $0x2710  }
0x39: {  	[sflag:s13] =	ssyncset.done $0x0  }
0x3a: {  	[sflag:s13] =	ssyncadd.s32 $0xFFFFD8F0  }
0x3b: {  	_ =	swait.ge [sflag:s13], $0x2710  }
0x3c: {  	[sflag:s13] =	ssyncset.done $0x0  }
0x3d: {  	[sflag:s13] =	ssyncadd.s32 $0xFFFFD8F0  }
0x3e: {  	[tilespmem:s15], [sflag:$0x2] =	stream.indirect.gather [hbm4b:s4+s14], $0x20, s3, s14, $0xb8;
	[tilespmem:$0xD020] =	vst v63  }
0x3f: {  	_ = 	snop  }
0x40: {  	[tilespmem:s16], [sflag:$0x3] =	stream.indirect.gather [hbm4b:s4+s14], $0x20, s14, s14, $0xb8;
	[tilespmem:$0xD020] =	vst v63  }
0x41: {  	s11 =	simm.s32 $0xA0  }
0x42: {  	[tilespmem:s18], [sflag:$0x4] =	stream.indirect.gather [hbm4b:s4+s14], $0x20, s11, s14, $0xb8;
	[tilespmem:$0xD020] =	vst v63  }
0x43: {  	s6 =	simm.s32 $0xF0  }
0x44: {  	[tilespmem:s20], [sflag:$0x5] =	stream.indirect.gather [hbm4b:s4+s14], $0x20, s6, s14, $0xb8;
	[tilespmem:$0xD020] =	vst v63  }
0x45: {  	_ =	swait.ge [sflag:s13], $0xA00  }
0x46: {  	[sflag:s13] =	ssyncset.done $0x0  }
0x47: {  	[sflag:s13] =	ssyncadd.s32 $0xFFFFF600  }
0x48: {  	[bflag:$0x0] =	sbarrier.arrive $0xFFFF  }
0x49: {  	_ =	swait.ge [sflag:s21], $0xA00  }
0x4a: {  	[sflag:s21] =	ssyncset.done $0x0  }
0x4b: {  	[sflag:s21] =	ssyncadd.s32 $0xFFFFF600  }
0x4c: {  	[spmem:s2] =	stream.indirect.scatter.add.f32 [tilespmem:s15], [sflag:$0x7], $0x20, s8, s14, $0xb8;
	[tilespmem:$0xD020] =	vst v63  }
0x4d: {  	s8 =	simm.s32 $0x140  }
0x4e: {  	[tilespmem:s23], [sflag:$0x6] =	stream.indirect.gather [hbm4b:s4+s14], $0x20, s8, s14, $0xb8;
	[tilespmem:$0xD020] =	vst v63  }
0x4f: {  	_ =	swait.ge [sflag:s25], $0xA00  }
0x50: {  	[sflag:s25] =	ssyncset.done $0x0  }
0x51: {  	s9 =	simm.s32 $0x2760;
	[sflag:s25] =	ssyncadd.s32 $0xFFFFF600  }
0x52: {  	[spmem:s2] =	stream.indirect.scatter.add.f32 [tilespmem:s16], [sflag:$0x8], $0x20, s9, s14, $0xb8;
	[tilespmem:$0xD020] =	vst v63  }
0x53: {  	_ =	swait.ge [sflag:s28], $0xA00  }
0x54: {  	[sflag:s28] =	ssyncset.done $0x0  }
0x55: {  	s10 =	simm.s32 $0x190;
	[sflag:s28] =	ssyncadd.s32 $0xFFFFF600  }
0x56: {  	[tilespmem:s15], [sflag:$0x2] =	stream.indirect.gather [hbm4b:s4+s14], $0x20, s10, s14, $0xb8;
	[tilespmem:$0xD020] =	vst v63  }
0x57: {  	_ =	swait.ge [sflag:s30], $0xA00  }
0x58: {  	[sflag:s30] =	ssyncset.done $0x0  }
0x59: {  	s11 =	simm.s32 $0x27B0;
	[sflag:s30] =	ssyncadd.s32 $0xFFFFF600  }
0x5a: {  	[spmem:s2] =	stream.indirect.scatter.add.f32 [tilespmem:s18], [sflag:$0x9], $0x20, s11, s14, $0xb8;
	[tilespmem:$0xD020] =	vst v63  }
0x5b: {  	_ =	swait.ge [sflag:s1], $0xA00  }
0x5c: {  	[sflag:s1] =	ssyncset.done $0x0  }
0x5d: {  	s6 =	simm.s32 $0x1E0;
	[sflag:s1] =	ssyncadd.s32 $0xFFFFF600  }
0x5e: {  	[tilespmem:s16], [sflag:$0x3] =	stream.indirect.gather [hbm4b:s4+s14], $0x20, s6, s14, $0xb8;
	[tilespmem:$0xD020] =	vst v63  }
0x5f: {  	_ =	swait.ge [sflag:s17], $0xA00  }
0x60: {  	[sflag:s17] =	ssyncset.done $0x0  }
0x61: {  	s8 =	simm.s32 $0x2800;
	[sflag:s17] =	ssyncadd.s32 $0xFFFFF600  }
0x62: {  	[spmem:s2] =	stream.indirect.scatter.add.f32 [tilespmem:s20], [sflag:$0xA], $0x20, s8, s14, $0xb8;
	[tilespmem:$0xD020] =	vst v63  }
0x63: {  	_ =	swait.ge [sflag:s22], $0xA00  }
0x64: {  	[sflag:s22] =	ssyncset.done $0x0  }
0x65: {  	s9 =	simm.s32 $0x230;
	[sflag:s22] =	ssyncadd.s32 $0xFFFFF600  }
0x66: {  	[tilespmem:s18], [sflag:$0x4] =	stream.indirect.gather [hbm4b:s4+s14], $0x20, s9, s14, $0xb8;
	[tilespmem:$0xD020] =	vst v63  }
0x67: {  	_ =	swait.ge [sflag:s29], $0xA00  }
0x68: {  	[sflag:s29] =	ssyncset.done $0x0  }
0x69: {  	s10 =	simm.s32 $0x2850;
	[sflag:s29] =	ssyncadd.s32 $0xFFFFF600  }
0x6a: {  	[spmem:s2] =	stream.indirect.scatter.add.f32 [tilespmem:s23], [sflag:$0xB], $0x20, s10, s14, $0xb8;
	[tilespmem:$0xD020] =	vst v63  }
0x6b: {  	_ =	swait.ge [sflag:s0], $0xA00  }
0x6c: {  	[sflag:s0] =	ssyncset.done $0x0  }
0x6d: {  	s5 =	simm.s32 $0x0;
	s11 =	simm.s32 $0x280;
	[sflag:s0] =	ssyncadd.s32 $0xFFFFF600  }
0x6e: {  	[tilespmem:s20], [sflag:$0x5] =	stream.indirect.gather [hbm4b:s4+s14], $0x20, s11, s14, $0xb8;
	[tilespmem:$0xD020] =	vst v63  }
.LBB2_2:
0x6f: {  	_ =	swait.ge [sflag:s21], $0xA00  }
0x70: {  	s6 =	sshra.s32 s5, $0x2;
	[sflag:s21] =	ssyncset.done $0x0  }
0x71: {  	s8 =	sadd.s32 $0x28A0, s6;
	[sflag:s21] =	ssyncadd.s32 $0xFFFFF600  }
0x72: {  	[spmem:s2] =	stream.indirect.scatter.add.f32 [tilespmem:s15], [sflag:$0x7], $0x20, s8, s14, $0xb8;
	[tilespmem:$0xD020] =	vst v63  }
0x73: {  	_ =	swait.ge [sflag:s26], $0xA00  }
0x74: {  	[sflag:s26] =	ssyncset.done $0x0  }
0x75: {  	s9 =	sadd.s32 $0x2D0, s6;
	[sflag:s26] =	ssyncadd.s32 $0xFFFFF600  }
0x76: {  	[tilespmem:s23], [sflag:$0x6] =	stream.indirect.gather [hbm4b:s4+s14], $0x20, s9, s14, $0xb8;
	[tilespmem:$0xD020] =	vst v63  }
0x77: {  	_ =	swait.ge [sflag:s25], $0xA00  }
0x78: {  	p0 =	seq.s32 s5, $0x8FC0;
	[sflag:s25] =	ssyncset.done $0x0  }
0x79: {  	s10 =	sadd.s32 $0x28F0, s6;
	s8 =	simm.s32 @p0 $0x4;
	[sflag:s25] =	ssyncadd.s32 $0xFFFFF600  }
0x7a: {  	[spmem:s2] =	stream.indirect.scatter.add.f32 [tilespmem:s16], [sflag:$0x8], $0x20, s10, s14, $0xb8;
	[tilespmem:$0xD020] =	vst v63  }
0x7b: {  	_ =	swait.ge @p0 [sflag:s8], $0xA00  }
0x7c: {  	[sflag:s8] =	ssyncset.done @p0 $0x0  }
0x7d: {  	[sflag:s8] =	ssyncadd.s32 @p0 $0xFFFFF600;
	s8 =	sshra.s32 @p0 s5, $0x2  }
0x7e: {  	s11 =	simm.s32 @p0 $0x6220;
	s9 =	simm.s32 @p0 $0x50;
	s8 =	sadd.s32 @p0 $0x2940, s8  }
0x7f: {  	[spmem:s2] =	stream.indirect.scatter.add.f32 @p0 [tilespmem:s11], [sflag:$0x9], $0x20, s8, s9, $0xb8;
	[tilespmem:$0xD020] =	vst v63  }
0x80: {  	s8 =	simm.s32 @!p0 $0x7  }
0x81: {  	_ =	swait.ge @!p0 [sflag:s8], $0xA00  }
0x82: {  	[sflag:s8] =	ssyncset.done @!p0 $0x0  }
0x83: {  	[sflag:s8] =	ssyncadd.s32 @!p0 $0xFFFFF600;
	s8 =	sshra.s32 @!p0 s5, $0x2  }
0x84: {  	s10 =	simm.s32 @!p0 $0x4E20;
	s11 =	simm.s32 @!p0 $0x50;
	s9 =	sadd.s32 @!p0 $0x320, s8  }
0x85: {  	[tilespmem:s10], [sflag:$0x2] =	stream.indirect.gather @!p0 [hbm4b:s4+s11], $0x20, s9, s11, $0xb8;
	[tilespmem:$0xD020] =	vst v63  }
0x86: {  	s9 =	simm.s32 @!p0 $0x4  }
0x87: {  	_ =	swait.ge @!p0 [sflag:s9], $0xA00  }
0x88: {  	[sflag:s9] =	ssyncset.done @!p0 $0x0  }
0x89: {  	s10 =	simm.s32 @!p0 $0x6220;
	[sflag:s9] =	ssyncadd.s32 @!p0 $0xFFFFF600;
	s9 =	sadd.s32 @!p0 $0x2940, s8  }
0x8a: {  	[spmem:s2] =	stream.indirect.scatter.add.f32 @!p0 [tilespmem:s10], [sflag:$0x9], $0x20, s9, s11, $0xb8;
	[tilespmem:$0xD020] =	vst v63  }
0x8b: {  	s9 =	simm.s32 @!p0 $0x8  }
0x8c: {  	_ =	swait.ge @!p0 [sflag:s9], $0xA00  }
0x8d: {  	[sflag:s9] =	ssyncset.done @!p0 $0x0  }
0x8e: {  	s8 =	sadd.s32 @!p0 $0x370, s8;
	[sflag:s9] =	ssyncadd.s32 @!p0 $0xFFFFF600;
	s9 =	simm.s32 @!p0 $0x5820  }
0x8f: {  	[tilespmem:s9], [sflag:$0x3] =	stream.indirect.gather @!p0 [hbm4b:s4+s11], $0x20, s8, s11, $0xb8;
	[tilespmem:$0xD020] =	vst v63  }
.Ltmp2:
0x90: {  	_ = 	snop;
	(pc) =	sbr.rel @p0 .LBB2_4-.Ltmp2, $4  }
0x91: {  	_ =	swait.ge [sflag:s17], $0xA00  }
0x92: {  	[sflag:s17] =	ssyncset.done $0x0  }
0x93: {  	s11 =	sadd.s32 $0x2990, s6;
	s8 =	sadd.s32 $0x29E0, s6;
	[sflag:s17] =	ssyncadd.s32 $0xFFFFF600  }
0x94: {  	[spmem:s2] =	stream.indirect.scatter.add.f32 [tilespmem:s20], [sflag:$0xA], $0x20, s11, s14, $0xb8;
	[tilespmem:$0xD020] =	vst v63  }
0x95: {  	_ =	swait.ge [sflag:s22], $0xA00  }
0x96: {  	[sflag:s22] =	ssyncset.done $0x0  }
0x97: {  	s9 =	sadd.s32 $0x3C0, s6;
	[sflag:s22] =	ssyncadd.s32 $0xFFFFF600  }
0x98: {  	[tilespmem:s18], [sflag:$0x4] =	stream.indirect.gather [hbm4b:s4+s14], $0x20, s9, s14, $0xb8;
	[tilespmem:$0xD020] =	vst v63  }
0x99: {  	_ =	swait.ge [sflag:s29], $0xA00  }
0x9a: {  	[sflag:s29] =	ssyncset.done $0x0  }
0x9b: {  	[sflag:s29] =	ssyncadd.s32 $0xFFFFF600  }
0x9c: {  	[spmem:s2] =	stream.indirect.scatter.add.f32 [tilespmem:s23], [sflag:$0xB], $0x20, s8, s14, $0xb8;
	[tilespmem:$0xD020] =	vst v63  }
.Ltmp3:
0x9d: {  	_ = 	snop;
	(pc) =	sbr.rel .LBB2_2-.Ltmp3, $4  }
0x9e: {  	_ =	swait.ge [sflag:s0], $0xA00  }
0x9f: {  	[sflag:s0] =	ssyncset.done $0x0  }
0xa0: {  	s11 =	sadd.s32 $0x410, s6;
	s5 =	sadd.s32 $0x640, s5;
	[sflag:s0] =	ssyncadd.s32 $0xFFFFF600  }
0xa1: {  	[tilespmem:s20], [sflag:$0x5] =	stream.indirect.gather [hbm4b:s4+s14], $0x20, s11, s14, $0xb8;
	[tilespmem:$0xD020] =	vst v63  }
.LBB2_5:
0xa2: {  	_ =	sfence.sel $0x180000  }
0xa3: {  	[bflag:$0x0] =	sbarrier.arrive $0xFFFF  }
0xa4: {  	_ =	strace $0x9000004A  }
0xa5: {  	s0 =	stileid.u32;
	[bflag:$0x2] =	sbarrier.arrive $0xFFFF  }
0xa6: {  	p0 =	sne.s32 s0, $0x0;
	s0 =	rddreg [dreg:$0x3]  }
0xa7: {  	s0 =	sadd.s32 @!p0 $0x100000, s0  }
0xa8: {  	[sflag:s0] =	ssyncadd.tile.s32 @!p0 $0x1;
	_ =	shalt  }
.Lfunc_end2:
_tile_overlayer_lowered:
.L_overlay_start_2:
0xa9: {  	(tag) =	ssettag $0x2  }
0xaa: {  	s0 =	rddreg [dreg:$0x0];
	s2 =	stileid.u32  }
0xab: {  	s1 =	rddreg [dreg:$0x1];
	p0 =	sne.s32 s2, $0x0  }
0xac: {  	s3 =	rddreg [dreg:$0x2];
	[bflag:$0x3] =	sbarrier.arrive $0xFFFF;
	s2 =	simm.s32 @!p0 $0x1C0C  }
0xad: {  	[timem:s3], [sflag:s2] =	dma.local @!p0 [hbm:s0], s1  }
0xae: {  	s0 =	simm.s32 @!p0 $0xC  }
0xaf: {  	_ =	swait.ge @!p0 [sflag:s0], s1  }
0xb0: {  	s1 =	ssub.s32 @!p0 $0x0, s1;
	[sflag:s0] =	ssyncset.done @!p0 $0x0  }
0xb1: {  	[sflag:s0] =	ssyncadd.s32 @!p0 s1  }
0xb2: {  	[bflag:$0x3] =	sbarrier.arrive $0xFFFF  }
0xb3: {  	_ =	shalt  }

</sc_bundles>
